<compile_context>
chip_gen: v7x
topology: tpu7x:2x2x1
jax: 0.10.2.dev20260603
libtpu: 0.0.44.dev20260713+nightly
codegen_flags: <defaults>
</compile_context>

<pallas_src>
import functools

import jax
import jax.numpy as jnp
from jax import lax
from jax.experimental import pallas as pl
from jax.experimental.pallas import tpu as pltpu
from jax.experimental.pallas import tpu_sc as plsc

D = 64
SEQ = 200
BATCH = 4096
B_TOTAL = BATCH * SEQ
NC = 2
NS = 16
NW = NC * NS
B_PER_W = B_TOTAL // NW
CHUNK = 128
NCHUNKS = B_PER_W // CHUNK

_mesh = plsc.VectorSubcoreMesh(core_axis_name="c", subcore_axis_name="s")


@functools.partial(
    pl.kernel,
    mesh=_mesh,
    out_type=jax.ShapeDtypeStruct((B_TOTAL, D), jnp.float32),
    scratch_types=[
        pltpu.VMEM((16, 128), jnp.int32),
        pltpu.VMEM((CHUNK, 2 * D), jnp.float32),
        pltpu.VMEM((CHUNK, 2 * D), jnp.float32),
        pltpu.VMEM((CHUNK, D), jnp.float32),
        pltpu.VMEM((CHUNK, D), jnp.float32),
        pltpu.VMEM((SEQ, D), jnp.float32),
        pltpu.SemaphoreType.DMA,
        pltpu.SemaphoreType.DMA,
        pltpu.SemaphoreType.DMA,
        pltpu.SemaphoreType.DMA,
    ],
)
def _embed(tab_hbm, idx_hbm, pe_hbm, out_hbm,
           idx_v, rows_a, rows_b, out_a, out_b, pe_v,
           sem_a, sem_b, osem_a, osem_b):
    wid = lax.axis_index("s") * NC + lax.axis_index("c")
    base = wid * B_PER_W
    pltpu.sync_copy(pe_hbm, pe_v)

    def fire(ci, buf, sem):
        slot = lax.rem(lax.div(ci, 8), 2) * 8

        @pl.when(lax.rem(ci, 8) == 0)
        def _():
            row0 = pl.multiple_of((base + ci * CHUNK) // 128, 8)
            pltpu.sync_copy(idx_hbm.at[pl.ds(row0, 8)],
                            idx_v.at[pl.ds(slot, 8)])
        pltpu.async_copy(tab_hbm.at[idx_v.at[slot + lax.rem(ci, 8)]],
                         buf, sem)

    def process(ci, buf, sem, out_v, osem, s0, first):
        cbase = pl.multiple_of(base + ci * CHUNK, CHUNK)
        pltpu.make_async_copy(tab_hbm.at[idx_v.at[0]], buf, sem).wait()
        @pl.when(jnp.logical_not(first))
        def _():
            pltpu.make_async_copy(
                out_v, out_hbm.at[pl.ds(cbase, CHUNK)], osem).wait()

        def row_body(r, s):
            for j in range(D // 16):
                sl = pl.ds(j * 16, 16)
                out_v[r, sl] = buf[r, sl] + pe_v[s, sl]
            s = s + 1
            return lax.select(s == SEQ, 0, s)

        s_end = lax.fori_loop(0, CHUNK, row_body, s0)
        pltpu.async_copy(out_v, out_hbm.at[pl.ds(cbase, CHUNK)], osem)
        return s_end

    fire(0, rows_a, sem_a)

    def pair_body(k, s):
        c0 = k * 2
        first = k == 0

        @pl.when(c0 + 1 < NCHUNKS)
        def _():
            fire(c0 + 1, rows_b, sem_b)
        s = process(c0, rows_a, sem_a, out_a, osem_a, s, first)

        @pl.when(c0 + 2 < NCHUNKS)
        def _():
            fire(c0 + 2, rows_a, sem_a)
        s = process(c0 + 1, rows_b, sem_b, out_b, osem_b, s, first)
        return s

    lax.fori_loop(0, NCHUNKS // 2, pair_body, lax.rem(base, SEQ))
    last = pl.multiple_of(base + (NCHUNKS - 2) * CHUNK, CHUNK)
    pltpu.make_async_copy(out_a, out_hbm.at[pl.ds(last, CHUNK)], osem_a).wait()
    pltpu.make_async_copy(out_b, out_hbm.at[pl.ds(last, CHUNK)], osem_b).wait()


def kernel(inputs, table, pos_encoding):
    tab_pad = jnp.pad(table, ((0, 0), (0, D)))
    idx = inputs.reshape(B_TOTAL // 128, 128).astype(jnp.int32)
    pe = pos_encoding[:SEQ]
    out = _embed(tab_pad, idx, pe)
    return out.reshape(BATCH, SEQ, D)

# --- scband reference (transcript-rebuilt; emitter-appended) ---
"""Pipeline reference for scband-embedding-45878840656384 (READ-ONLY COPY).

The authoritative reference and input builder live on the scoring server;
editing this copy changes nothing except your own understanding.
"""

import jax, jax.numpy as jnp
import numpy as np

VOCAB = 1000000
D_MODEL = 64
MAX_LEN = 200
BATCH = 4096
SEQ = 200

def positional_encoding(d_model, max_length):
    pos = np.arange(max_length, dtype=np.float32)[:, None]
    div = np.exp(np.arange(0, d_model, 2, dtype=np.float32) * (-np.log(10000.0) / d_model))
    pe = np.zeros((max_length, d_model), dtype=np.float32)
    pe[:, 0::2] = np.sin(pos * div)
    pe[:, 1::2] = np.cos(pos * div)
    return jnp.asarray(pe)

def setup_inputs(seed: int = 0) -> dict:
    key = jax.random.key(seed)
    k1, k2 = jax.random.split(key)
    inputs = jax.random.randint(k1, (BATCH, SEQ), 0, VOCAB)
    table = jax.random.normal(k2, (VOCAB, D_MODEL), dtype=jnp.float32) * 0.02
    pos_enc = positional_encoding(D_MODEL, MAX_LEN)
    return {"inputs": inputs, "table": table, "pos_encoding": pos_enc}

def reference(inputs, table, pos_encoding):
    # embedding lookup (gather)
    embeddings = jnp.take(table, inputs, axis=0)
    seq_len = inputs.shape[-1]
    pe = pos_encoding[:seq_len]
    outputs = embeddings + pe
    # dropout p=0.0 -> identity
    return outputs

if __name__ == "__main__":
    import jax
    _d = setup_inputs()
    print(jax.jit(kernel)(*tuple(_d.values())))

</pallas_src>

<mosaic_0001>
#map = affine_map<(d0, d1) -> (0, 0)>
module attributes {stable_mosaic.version = 14 : i64} {
  func.func @_embed(%arg0: i32, %arg1: i32, %arg2: memref<1000000x128xf32, #tpu.memory_space<hbm>>, %arg3: memref<6400x128xi32, #tpu.memory_space<hbm>>, %arg4: memref<200x64xf32, #tpu.memory_space<hbm>>, %arg5: memref<819200x64xf32, #tpu.memory_space<hbm>>, %arg6: memref<16x128xi32, #tpu.memory_space<vmem>>, %arg7: memref<128x128xf32, #tpu.memory_space<vmem>>, %arg8: memref<128x128xf32, #tpu.memory_space<vmem>>, %arg9: memref<128x64xf32, #tpu.memory_space<vmem>>, %arg10: memref<128x64xf32, #tpu.memory_space<vmem>>, %arg11: memref<200x64xf32, #tpu.memory_space<vmem>>, %arg12: memref<!tpu.dma_semaphore, #tpu.memory_space<semaphore_mem>>, %arg13: memref<!tpu.dma_semaphore, #tpu.memory_space<semaphore_mem>>, %arg14: memref<!tpu.dma_semaphore, #tpu.memory_space<semaphore_mem>>, %arg15: memref<!tpu.dma_semaphore, #tpu.memory_space<semaphore_mem>>) attributes {dimension_semantics = [#tpu.dimension_semantics<core_parallel>, #tpu.dimension_semantics<subcore_parallel>], iteration_bounds = array<i64: 2, 16>, scalar_prefetch = 0 : i64, scratch_operands = 10 : i64, tpu.core_type = #tpu.core_type<sc_vector_subcore>, window_params = [{transform_indices = #map}, {transform_indices = #map}, {transform_indices = #map}, {transform_indices = #map}]} {
    %mul3A = arith.constant 2 : i32
    %mul3A_0 = arith.muli %arg1, %mul3A : i32
    %add3A = arith.addi %mul3A_0, %arg0 : i32
    %mul3A_1 = arith.constant 25600 : i32
    %mul3A_2 = arith.muli %add3A, %mul3A_1 : i32
    "tpu.region"() ({
      %run_scoped3A = tpu.sem_alloc : memref<!tpu.dma_semaphore, #tpu.memory_space<semaphore_mem>>
      tpu.enqueue_dma source(%arg4 : memref<200x64xf32, #tpu.memory_space<hbm>>) target(%arg11 : memref<200x64xf32, #tpu.memory_space<vmem>>) target_semaphore(%run_scoped3A : memref<!tpu.dma_semaphore, #tpu.memory_space<semaphore_mem>>)
      tpu.wait_dma2 semaphore(%run_scoped3A : memref<!tpu.dma_semaphore, #tpu.memory_space<semaphore_mem>>) src(%arg4 : memref<200x64xf32, #tpu.memory_space<hbm>>) dst(%arg11 : memref<200x64xf32, #tpu.memory_space<vmem>>)
      tpu.yield
    }) : () -> ()
    %div3A = arith.constant 0 : i32
    %div3A_3 = arith.constant 8 : i32
    %div3A_4 = arith.divsi %div3A, %div3A_3 : i32
    %rem3A = arith.constant 2 : i32
    %rem3A_5 = arith.remsi %div3A_4, %rem3A : i32
    %mul3A_6 = arith.constant 8 : i32
    %mul3A_7 = arith.muli %rem3A_5, %mul3A_6 : i32
    %rem3A_8 = arith.constant 0 : i32
    %rem3A_9 = arith.constant 8 : i32
    %rem3A_10 = arith.remsi %rem3A_8, %rem3A_9 : i32
    %eq3A = arith.constant 0 : i32
    %eq3A_11 = arith.cmpi eq, %rem3A_10, %eq3A : i32
    %convert_element_type3A = arith.extui %eq3A_11 : i1 to i32
    %cond3A = arith.constant 0 : i32
    %cond3A_12 = arith.cmpi ne, %convert_element_type3A, %cond3A : i32
    scf.if %cond3A_12 {
      %add3A_38 = arith.constant 0 : i32
      %add3A_39 = arith.addi %mul3A_2, %add3A_38 : i32
      %jit3A = arith.constant 128 : i32
      %div3A_40 = arith.divsi %add3A_39, %jit3A : i32
      %sign3A = arith.constant 0 : i32
      %sign3A_41 = arith.cmpi sgt, %add3A_39, %sign3A : i32
      %sign3A_42 = arith.extui %sign3A_41 : i1 to i32
      %sign3A_43 = arith.constant 0 : i32
      %sign3A_44 = arith.cmpi slt, %add3A_39, %sign3A_43 : i32
      %sign3A_45 = arith.extui %sign3A_44 : i1 to i32
      %sign3A_46 = arith.subi %sign3A_42, %sign3A_45 : i32
      %sign3A_47 = arith.constant 0 : i32
      %sign3A_48 = arith.cmpi sgt, %jit3A, %sign3A_47 : i32
      %sign3A_49 = arith.extui %sign3A_48 : i1 to i32
      %sign3A_50 = arith.constant 0 : i32
      %sign3A_51 = arith.cmpi slt, %jit3A, %sign3A_50 : i32
      %sign3A_52 = arith.extui %sign3A_51 : i1 to i32
      %sign3A_53 = arith.subi %sign3A_49, %sign3A_52 : i32
      %ne3A = arith.cmpi ne, %sign3A_46, %sign3A_53 : i32
      %rem3A_54 = arith.remsi %add3A_39, %jit3A : i32
      %ne3A_55 = arith.constant 0 : i32
      %ne3A_56 = arith.cmpi ne, %rem3A_54, %ne3A_55 : i32
      %and3A = arith.andi %ne3A, %ne3A_56 : i1
      %sub3A = arith.constant 1 : i32
      %sub3A_57 = arith.subi %div3A_40, %sub3A : i32
      %select_n3A = arith.select %and3A, %sub3A_57, %div3A_40 : i32
      %multiple_of3A_58 = tpu.assume_multiple %select_n3A, 8 : i32
      "tpu.region"() ({
        %run_scoped3A = tpu.sem_alloc : memref<!tpu.dma_semaphore, #tpu.memory_space<semaphore_mem>>
        %dma_start3A_59 = arith.constant 0 : i32
        %dma_start3A_60 = tpu.memref_slice %arg6[%mul3A_7, %dma_start3A_59] : memref<16x128xi32, #tpu.memory_space<vmem>> -> memref<8x128xi32, #tpu.memory_space<vmem>>
        %dma_start3A_61 = arith.constant 0 : i32
        %dma_start3A_62 = tpu.memref_slice %arg3[%multiple_of3A_58, %dma_start3A_61] : memref<6400x128xi32, #tpu.memory_space<hbm>> -> memref<8x128xi32, #tpu.memory_space<hbm>>
        %dma_start3A_63 = arith.constant 0 : i32
        %dma_start3A_64 = tpu.memref_slice %arg6[%mul3A_7, %dma_start3A_63] : memref<16x128xi32, #tpu.memory_space<vmem>> -> memref<8x128xi32, #tpu.memory_space<vmem>>
        %dma_start3A_65 = arith.constant 0 : i32
        %dma_start3A_66 = tpu.memref_slice %arg3[%multiple_of3A_58, %dma_start3A_65] : memref<6400x128xi32, #tpu.memory_space<hbm>> -> memref<8x128xi32, #tpu.memory_space<hbm>>
        tpu.enqueue_dma source(%dma_start3A_66 : memref<8x128xi32, #tpu.memory_space<hbm>>) target(%dma_start3A_64 : memref<8x128xi32, #tpu.memory_space<vmem>>) target_semaphore(%run_scoped3A : memref<!tpu.dma_semaphore, #tpu.memory_space<semaphore_mem>>)
        %dma_wait3A_67 = arith.constant 0 : i32
        %dma_wait3A_68 = tpu.memref_slice %arg6[%mul3A_7, %dma_wait3A_67] : memref<16x128xi32, #tpu.memory_space<vmem>> -> memref<8x128xi32, #tpu.memory_space<vmem>>
        %dma_wait3A_69 = arith.constant 0 : i32
        %dma_wait3A_70 = tpu.memref_slice %arg3[%multiple_of3A_58, %dma_wait3A_69] : memref<6400x128xi32, #tpu.memory_space<hbm>> -> memref<8x128xi32, #tpu.memory_space<hbm>>
        %dma_wait3A_71 = arith.constant 0 : i32
        %dma_wait3A_72 = tpu.memref_slice %arg6[%mul3A_7, %dma_wait3A_71] : memref<16x128xi32, #tpu.memory_space<vmem>> -> memref<8x128xi32, #tpu.memory_space<vmem>>
        %dma_wait3A_73 = arith.constant 0 : i32
        %dma_wait3A_74 = tpu.memref_slice %arg3[%multiple_of3A_58, %dma_wait3A_73] : memref<6400x128xi32, #tpu.memory_space<hbm>> -> memref<8x128xi32, #tpu.memory_space<hbm>>
        tpu.wait_dma2 semaphore(%run_scoped3A : memref<!tpu.dma_semaphore, #tpu.memory_space<semaphore_mem>>) src(%dma_wait3A_74 : memref<8x128xi32, #tpu.memory_space<hbm>>) dst(%dma_wait3A_72 : memref<8x128xi32, #tpu.memory_space<vmem>>)
        tpu.yield
      }) : () -> ()
    } else {
    }
    %rem3A_13 = arith.constant 0 : i32
    %rem3A_14 = arith.constant 8 : i32
    %rem3A_15 = arith.remsi %rem3A_13, %rem3A_14 : i32
    %add3A_16 = arith.addi %mul3A_7, %rem3A_15 : i32
    %dma_start3A = arith.constant 0 : i32
    %dma_start3A_17 = tpu.memref_slice %arg6[%add3A_16, %dma_start3A] : memref<16x128xi32, #tpu.memory_space<vmem>> -> memref<1x128xi32, #tpu.memory_space<vmem>>
    %dma_start3A_18 = tpu.memref_squeeze %dma_start3A_17 : memref<1x128xi32, #tpu.memory_space<vmem>> -> memref<128xi32, #tpu.memory_space<vmem>>
    %dma_start3A_19 = arith.constant 0 : i32
    %dma_start3A_20 = arith.constant 0 : i32
    %dma_start3A_21 = tpu.memref_slice %arg2[%dma_start3A_19, %dma_start3A_20] : memref<1000000x128xf32, #tpu.memory_space<hbm>> -> memref<1000000x128xf32, #tpu.memory_space<hbm>>
    tpu.enqueue_indirect_dma source(%dma_start3A_21 : memref<1000000x128xf32, #tpu.memory_space<hbm>>) target(%arg7 : memref<128x128xf32, #tpu.memory_space<vmem>>) offsets(%dma_start3A_18 : memref<128xi32, #tpu.memory_space<vmem>>) semaphore(%arg12 : memref<!tpu.dma_semaphore, #tpu.memory_space<semaphore_mem>>)
    %rem3A_22 = arith.constant 200 : i32
    %rem3A_23 = arith.remsi %mul3A_2, %rem3A_22 : i32
    %scan3A = arith.constant 0 : i32
    %scan3A_24 = arith.constant 100 : i32
    %scan3A_25 = arith.addi %scan3A, %scan3A_24 : i32
    %scan3A_26 = arith.constant 1 : i32
    %scan3A_27 = scf.for %scan3A_38 = %scan3A to %scan3A_25 step %scan3A_26 iter_args(%scan3A_39 = %rem3A_23) -> (i32)  : i32 {
      %mul3A_40 = arith.constant 2 : i32
      %mul3A_41 = arith.muli %scan3A_38, %mul3A_40 : i32
      %eq3A_42 = arith.constant 0 : i32
      %eq3A_43 = arith.cmpi eq, %scan3A_38, %eq3A_42 : i32
      %add3A_44 = arith.constant 1 : i32
      %add3A_45 = arith.addi %mul3A_41, %add3A_44 : i32
      %lt3A = arith.constant 200 : i32
      %lt3A_46 = arith.cmpi slt, %add3A_45, %lt3A : i32
      %convert_element_type3A_47 = arith.extui %lt3A_46 : i1 to i32
      %cond3A_48 = arith.constant 0 : i32
      %cond3A_49 = arith.cmpi ne, %convert_element_type3A_47, %cond3A_48 : i32
      scf.if %cond3A_49 {
        %add3A_110 = arith.constant 1 : i32
        %add3A_111 = arith.addi %mul3A_41, %add3A_110 : i32
        %div3A_112 = arith.constant 8 : i32
        %div3A_113 = arith.divsi %add3A_111, %div3A_112 : i32
        %rem3A_114 = arith.constant 2 : i32
        %rem3A_115 = arith.remsi %div3A_113, %rem3A_114 : i32
        %mul3A_116 = arith.constant 8 : i32
        %mul3A_117 = arith.muli %rem3A_115, %mul3A_116 : i32
        %rem3A_118 = arith.constant 8 : i32
        %rem3A_119 = arith.remsi %add3A_111, %rem3A_118 : i32
        %eq3A_120 = arith.constant 0 : i32
        %eq3A_121 = arith.cmpi eq, %rem3A_119, %eq3A_120 : i32
        %convert_element_type3A_122 = arith.extui %eq3A_121 : i1 to i32
        %cond3A_123 = arith.constant 0 : i32
        %cond3A_124 = arith.cmpi ne, %convert_element_type3A_122, %cond3A_123 : i32
        scf.if %cond3A_124 {
          %mul3A_134 = arith.constant 128 : i32
          %mul3A_135 = arith.muli %add3A_111, %mul3A_134 : i32
          %add3A_136 = arith.addi %mul3A_2, %mul3A_135 : i32
          %jit3A = arith.constant 128 : i32
          %div3A_137 = arith.divsi %add3A_136, %jit3A : i32
          %sign3A = arith.constant 0 : i32
          %sign3A_138 = arith.cmpi sgt, %add3A_136, %sign3A : i32
          %sign3A_139 = arith.extui %sign3A_138 : i1 to i32
          %sign3A_140 = arith.constant 0 : i32
          %sign3A_141 = arith.cmpi slt, %add3A_136, %sign3A_140 : i32
          %sign3A_142 = arith.extui %sign3A_141 : i1 to i32
          %sign3A_143 = arith.subi %sign3A_139, %sign3A_142 : i32
          %sign3A_144 = arith.constant 0 : i32
          %sign3A_145 = arith.cmpi sgt, %jit3A, %sign3A_144 : i32
          %sign3A_146 = arith.extui %sign3A_145 : i1 to i32
          %sign3A_147 = arith.constant 0 : i32
          %sign3A_148 = arith.cmpi slt, %jit3A, %sign3A_147 : i32
          %sign3A_149 = arith.extui %sign3A_148 : i1 to i32
          %sign3A_150 = arith.subi %sign3A_146, %sign3A_149 : i32
          %ne3A = arith.cmpi ne, %sign3A_143, %sign3A_150 : i32
          %rem3A_151 = arith.remsi %add3A_136, %jit3A : i32
          %ne3A_152 = arith.constant 0 : i32
          %ne3A_153 = arith.cmpi ne, %rem3A_151, %ne3A_152 : i32
          %and3A = arith.andi %ne3A, %ne3A_153 : i1
          %sub3A = arith.constant 1 : i32
          %sub3A_154 = arith.subi %div3A_137, %sub3A : i32
          %select_n3A = arith.select %and3A, %sub3A_154, %div3A_137 : i32
          %multiple_of3A_155 = tpu.assume_multiple %select_n3A, 8 : i32
          "tpu.region"() ({
            %run_scoped3A = tpu.sem_alloc : memref<!tpu.dma_semaphore, #tpu.memory_space<semaphore_mem>>
            %dma_start3A_156 = arith.constant 0 : i32
            %dma_start3A_157 = tpu.memref_slice %arg6[%mul3A_117, %dma_start3A_156] : memref<16x128xi32, #tpu.memory_space<vmem>> -> memref<8x128xi32, #tpu.memory_space<vmem>>
            %dma_start3A_158 = arith.constant 0 : i32
            %dma_start3A_159 = tpu.memref_slice %arg3[%multiple_of3A_155, %dma_start3A_158] : memref<6400x128xi32, #tpu.memory_space<hbm>> -> memref<8x128xi32, #tpu.memory_space<hbm>>
            %dma_start3A_160 = arith.constant 0 : i32
            %dma_start3A_161 = tpu.memref_slice %arg6[%mul3A_117, %dma_start3A_160] : memref<16x128xi32, #tpu.memory_space<vmem>> -> memref<8x128xi32, #tpu.memory_space<vmem>>
            %dma_start3A_162 = arith.constant 0 : i32
            %dma_start3A_163 = tpu.memref_slice %arg3[%multiple_of3A_155, %dma_start3A_162] : memref<6400x128xi32, #tpu.memory_space<hbm>> -> memref<8x128xi32, #tpu.memory_space<hbm>>
            tpu.enqueue_dma source(%dma_start3A_163 : memref<8x128xi32, #tpu.memory_space<hbm>>) target(%dma_start3A_161 : memref<8x128xi32, #tpu.memory_space<vmem>>) target_semaphore(%run_scoped3A : memref<!tpu.dma_semaphore, #tpu.memory_space<semaphore_mem>>)
            %dma_wait3A_164 = arith.constant 0 : i32
            %dma_wait3A_165 = tpu.memref_slice %arg6[%mul3A_117, %dma_wait3A_164] : memref<16x128xi32, #tpu.memory_space<vmem>> -> memref<8x128xi32, #tpu.memory_space<vmem>>
            %dma_wait3A_166 = arith.constant 0 : i32
            %dma_wait3A_167 = tpu.memref_slice %arg3[%multiple_of3A_155, %dma_wait3A_166] : memref<6400x128xi32, #tpu.memory_space<hbm>> -> memref<8x128xi32, #tpu.memory_space<hbm>>
            %dma_wait3A_168 = arith.constant 0 : i32
            %dma_wait3A_169 = tpu.memref_slice %arg6[%mul3A_117, %dma_wait3A_168] : memref<16x128xi32, #tpu.memory_space<vmem>> -> memref<8x128xi32, #tpu.memory_space<vmem>>
            %dma_wait3A_170 = arith.constant 0 : i32
            %dma_wait3A_171 = tpu.memref_slice %arg3[%multiple_of3A_155, %dma_wait3A_170] : memref<6400x128xi32, #tpu.memory_space<hbm>> -> memref<8x128xi32, #tpu.memory_space<hbm>>
            tpu.wait_dma2 semaphore(%run_scoped3A : memref<!tpu.dma_semaphore, #tpu.memory_space<semaphore_mem>>) src(%dma_wait3A_171 : memref<8x128xi32, #tpu.memory_space<hbm>>) dst(%dma_wait3A_169 : memref<8x128xi32, #tpu.memory_space<vmem>>)
            tpu.yield
          }) : () -> ()
        } else {
        }
        %rem3A_125 = arith.constant 8 : i32
        %rem3A_126 = arith.remsi %add3A_111, %rem3A_125 : i32
        %add3A_127 = arith.addi %mul3A_117, %rem3A_126 : i32
        %dma_start3A_128 = arith.constant 0 : i32
        %dma_start3A_129 = tpu.memref_slice %arg6[%add3A_127, %dma_start3A_128] : memref<16x128xi32, #tpu.memory_space<vmem>> -> memref<1x128xi32, #tpu.memory_space<vmem>>
        %dma_start3A_130 = tpu.memref_squeeze %dma_start3A_129 : memref<1x128xi32, #tpu.memory_space<vmem>> -> memref<128xi32, #tpu.memory_space<vmem>>
        %dma_start3A_131 = arith.constant 0 : i32
        %dma_start3A_132 = arith.constant 0 : i32
        %dma_start3A_133 = tpu.memref_slice %arg2[%dma_start3A_131, %dma_start3A_132] : memref<1000000x128xf32, #tpu.memory_space<hbm>> -> memref<1000000x128xf32, #tpu.memory_space<hbm>>
        tpu.enqueue_indirect_dma source(%dma_start3A_133 : memref<1000000x128xf32, #tpu.memory_space<hbm>>) target(%arg8 : memref<128x128xf32, #tpu.memory_space<vmem>>) offsets(%dma_start3A_130 : memref<128xi32, #tpu.memory_space<vmem>>) semaphore(%arg13 : memref<!tpu.dma_semaphore, #tpu.memory_space<semaphore_mem>>)
      } else {
      }
      %mul3A_50 = arith.constant 128 : i32
      %mul3A_51 = arith.muli %mul3A_41, %mul3A_50 : i32
      %add3A_52 = arith.addi %mul3A_2, %mul3A_51 : i32
      %multiple_of3A_53 = tpu.assume_multiple %add3A_52, 128 : i32
      %dma_wait3A_54 = arith.constant 0 : i32
      %dma_wait3A_55 = arith.constant 0 : i32
      %dma_wait3A_56 = tpu.memref_slice %arg6[%dma_wait3A_54, %dma_wait3A_55] : memref<16x128xi32, #tpu.memory_space<vmem>> -> memref<1x128xi32, #tpu.memory_space<vmem>>
      %dma_wait3A_57 = tpu.memref_squeeze %dma_wait3A_56 : memref<1x128xi32, #tpu.memory_space<vmem>> -> memref<128xi32, #tpu.memory_space<vmem>>
      %dma_wait3A_58 = arith.constant 0 : i32
      %dma_wait3A_59 = arith.constant 0 : i32
      %dma_wait3A_60 = tpu.memref_slice %arg2[%dma_wait3A_58, %dma_wait3A_59] : memref<1000000x128xf32, #tpu.memory_space<hbm>> -> memref<1000000x128xf32, #tpu.memory_space<hbm>>
      tpu.wait_indirect_dma semaphore(%arg12 : memref<!tpu.dma_semaphore, #tpu.memory_space<semaphore_mem>>) src(%dma_wait3A_60 : memref<1000000x128xf32, #tpu.memory_space<hbm>>) dst(%arg7 : memref<128x128xf32, #tpu.memory_space<vmem>>)
      %not3A = arith.constant true
      %not3A_61 = arith.xori %eq3A_43, %not3A : i1
      %convert_element_type3A_62 = arith.extui %not3A_61 : i1 to i32
      %cond3A_63 = arith.constant 0 : i32
      %cond3A_64 = arith.cmpi ne, %convert_element_type3A_62, %cond3A_63 : i32
      scf.if %cond3A_64 {
        %dma_wait3A_110 = arith.constant 0 : i32
        %dma_wait3A_111 = tpu.memref_slice %arg5[%multiple_of3A_53, %dma_wait3A_110] : memref<819200x64xf32, #tpu.memory_space<hbm>> -> memref<128x64xf32, #tpu.memory_space<hbm>>
        %dma_wait3A_112 = arith.constant 0 : i32
        %dma_wait3A_113 = tpu.memref_slice %arg5[%multiple_of3A_53, %dma_wait3A_112] : memref<819200x64xf32, #tpu.memory_space<hbm>> -> memref<128x64xf32, #tpu.memory_space<hbm>>
        tpu.wait_dma2 semaphore(%arg14 : memref<!tpu.dma_semaphore, #tpu.memory_space<semaphore_mem>>) src(%arg9 : memref<128x64xf32, #tpu.memory_space<vmem>>) dst(%dma_wait3A_113 : memref<128x64xf32, #tpu.memory_space<hbm>>)
      } else {
      }
      %scan3A_65 = arith.constant 0 : i32
      %scan3A_66 = arith.constant 128 : i32
      %scan3A_67 = arith.addi %scan3A_65, %scan3A_66 : i32
      %scan3A_68 = arith.constant 1 : i32
      %scan3A_69 = scf.for %scan3A_110 = %scan3A_65 to %scan3A_67 step %scan3A_68 iter_args(%scan3A_111 = %scan3A_39) -> (i32)  : i32 {
        %get3A = arith.index_cast %scan3A_110 : i32 to index
        %get3A_112 = arith.constant 0 : index
        %get3A_113 = tpu.vector_load %arg7[%get3A, %get3A_112] {strides = array<i32>} : memref<128x128xf32, #tpu.memory_space<vmem>>, vector<1x16xf32>,
        %get3A_114 = vector.shape_cast %get3A_113 : vector<1x16xf32> to vector<16xf32>
        %get3A_115 = arith.index_cast %scan3A_111 : i32 to index
        %get3A_116 = arith.constant 0 : index
        %get3A_117 = tpu.vector_load %arg11[%get3A_115, %get3A_116] {strides = array<i32>} : memref<200x64xf32, #tpu.memory_space<vmem>>, vector<1x16xf32>,
        %get3A_118 = vector.shape_cast %get3A_117 : vector<1x16xf32> to vector<16xf32>
        %add3A_119 = arith.addf %get3A_114, %get3A_118 : vector<16xf32>
        %swap3A = arith.index_cast %scan3A_110 : i32 to index
        %swap3A_120 = arith.constant 0 : index
        %swap3A_121 = tpu.vector_load %arg9[%swap3A, %swap3A_120] {strides = array<i32>} : memref<128x64xf32, #tpu.memory_space<vmem>>, vector<1x16xf32>,
        %swap3A_122 = vector.shape_cast %swap3A_121 : vector<1x16xf32> to vector<16xf32>
        %swap3A_123 = vector.shape_cast %add3A_119 : vector<16xf32> to vector<1x16xf32>
        tpu.vector_store %arg9[%swap3A, %swap3A_120], %swap3A_123 {strides = array<i32>} : memref<128x64xf32, #tpu.memory_space<vmem>>, vector<1x16xf32>,
        %get3A_124 = arith.index_cast %scan3A_110 : i32 to index
        %get3A_125 = arith.constant 16 : index
        %get3A_126 = tpu.vector_load %arg7[%get3A_124, %get3A_125] {strides = array<i32>} : memref<128x128xf32, #tpu.memory_space<vmem>>, vector<1x16xf32>,
        %get3A_127 = vector.shape_cast %get3A_126 : vector<1x16xf32> to vector<16xf32>
        %get3A_128 = arith.index_cast %scan3A_111 : i32 to index
        %get3A_129 = arith.constant 16 : index
        %get3A_130 = tpu.vector_load %arg11[%get3A_128, %get3A_129] {strides = array<i32>} : memref<200x64xf32, #tpu.memory_space<vmem>>, vector<1x16xf32>,
        %get3A_131 = vector.shape_cast %get3A_130 : vector<1x16xf32> to vector<16xf32>
        %add3A_132 = arith.addf %get3A_127, %get3A_131 : vector<16xf32>
        %swap3A_133 = arith.index_cast %scan3A_110 : i32 to index
        %swap3A_134 = arith.constant 16 : index
        %swap3A_135 = tpu.vector_load %arg9[%swap3A_133, %swap3A_134] {strides = array<i32>} : memref<128x64xf32, #tpu.memory_space<vmem>>, vector<1x16xf32>,
        %swap3A_136 = vector.shape_cast %swap3A_135 : vector<1x16xf32> to vector<16xf32>
        %swap3A_137 = vector.shape_cast %add3A_132 : vector<16xf32> to vector<1x16xf32>
        tpu.vector_store %arg9[%swap3A_133, %swap3A_134], %swap3A_137 {strides = array<i32>} : memref<128x64xf32, #tpu.memory_space<vmem>>, vector<1x16xf32>,
        %get3A_138 = arith.index_cast %scan3A_110 : i32 to index
        %get3A_139 = arith.constant 32 : index
        %get3A_140 = tpu.vector_load %arg7[%get3A_138, %get3A_139] {strides = array<i32>} : memref<128x128xf32, #tpu.memory_space<vmem>>, vector<1x16xf32>,
        %get3A_141 = vector.shape_cast %get3A_140 : vector<1x16xf32> to vector<16xf32>
        %get3A_142 = arith.index_cast %scan3A_111 : i32 to index
        %get3A_143 = arith.constant 32 : index
        %get3A_144 = tpu.vector_load %arg11[%get3A_142, %get3A_143] {strides = array<i32>} : memref<200x64xf32, #tpu.memory_space<vmem>>, vector<1x16xf32>,
        %get3A_145 = vector.shape_cast %get3A_144 : vector<1x16xf32> to vector<16xf32>
        %add3A_146 = arith.addf %get3A_141, %get3A_145 : vector<16xf32>
        %swap3A_147 = arith.index_cast %scan3A_110 : i32 to index
        %swap3A_148 = arith.constant 32 : index
        %swap3A_149 = tpu.vector_load %arg9[%swap3A_147, %swap3A_148] {strides = array<i32>} : memref<128x64xf32, #tpu.memory_space<vmem>>, vector<1x16xf32>,
        %swap3A_150 = vector.shape_cast %swap3A_149 : vector<1x16xf32> to vector<16xf32>
        %swap3A_151 = vector.shape_cast %add3A_146 : vector<16xf32> to vector<1x16xf32>
        tpu.vector_store %arg9[%swap3A_147, %swap3A_148], %swap3A_151 {strides = array<i32>} : memref<128x64xf32, #tpu.memory_space<vmem>>, vector<1x16xf32>,
        %get3A_152 = arith.index_cast %scan3A_110 : i32 to index
        %get3A_153 = arith.constant 48 : index
        %get3A_154 = tpu.vector_load %arg7[%get3A_152, %get3A_153] {strides = array<i32>} : memref<128x128xf32, #tpu.memory_space<vmem>>, vector<1x16xf32>,
        %get3A_155 = vector.shape_cast %get3A_154 : vector<1x16xf32> to vector<16xf32>
        %get3A_156 = arith.index_cast %scan3A_111 : i32 to index
        %get3A_157 = arith.constant 48 : index
        %get3A_158 = tpu.vector_load %arg11[%get3A_156, %get3A_157] {strides = array<i32>} : memref<200x64xf32, #tpu.memory_space<vmem>>, vector<1x16xf32>,
        %get3A_159 = vector.shape_cast %get3A_158 : vector<1x16xf32> to vector<16xf32>
        %add3A_160 = arith.addf %get3A_155, %get3A_159 : vector<16xf32>
        %swap3A_161 = arith.index_cast %scan3A_110 : i32 to index
        %swap3A_162 = arith.constant 48 : index
        %swap3A_163 = tpu.vector_load %arg9[%swap3A_161, %swap3A_162] {strides = array<i32>} : memref<128x64xf32, #tpu.memory_space<vmem>>, vector<1x16xf32>,
        %swap3A_164 = vector.shape_cast %swap3A_163 : vector<1x16xf32> to vector<16xf32>
        %swap3A_165 = vector.shape_cast %add3A_160 : vector<16xf32> to vector<1x16xf32>
        tpu.vector_store %arg9[%swap3A_161, %swap3A_162], %swap3A_165 {strides = array<i32>} : memref<128x64xf32, #tpu.memory_space<vmem>>, vector<1x16xf32>,
        %add3A_166 = arith.constant 1 : i32
        %add3A_167 = arith.addi %scan3A_111, %add3A_166 : i32
        %eq3A_168 = arith.constant 200 : i32
        %eq3A_169 = arith.cmpi eq, %add3A_167, %eq3A_168 : i32
        %select_n3A = arith.constant 0 : i32
        %select_n3A_170 = arith.select %eq3A_169, %select_n3A, %add3A_167 : i32
        scf.yield %select_n3A_170 : i32
      }
      %scan3A_70 = arith.constant 128 : i32
      %dma_start3A_71 = arith.constant 0 : i32
      %dma_start3A_72 = tpu.memref_slice %arg5[%multiple_of3A_53, %dma_start3A_71] : memref<819200x64xf32, #tpu.memory_space<hbm>> -> memref<128x64xf32, #tpu.memory_space<hbm>>
      %dma_start3A_73 = arith.constant 0 : i32
      %dma_start3A_74 = tpu.memref_slice %arg5[%multiple_of3A_53, %dma_start3A_73] : memref<819200x64xf32, #tpu.memory_space<hbm>> -> memref<128x64xf32, #tpu.memory_space<hbm>>
      tpu.enqueue_dma source(%arg9 : memref<128x64xf32, #tpu.memory_space<vmem>>) target(%dma_start3A_74 : memref<128x64xf32, #tpu.memory_space<hbm>>) target_semaphore(%arg14 : memref<!tpu.dma_semaphore, #tpu.memory_space<semaphore_mem>>)
      %add3A_75 = arith.constant 2 : i32
      %add3A_76 = arith.addi %mul3A_41, %add3A_75 : i32
      %lt3A_77 = arith.constant 200 : i32
      %lt3A_78 = arith.cmpi slt, %add3A_76, %lt3A_77 : i32
      %convert_element_type3A_79 = arith.extui %lt3A_78 : i1 to i32
      %cond3A_80 = arith.constant 0 : i32
      %cond3A_81 = arith.cmpi ne, %convert_element_type3A_79, %cond3A_80 : i32
      scf.if %cond3A_81 {
        %add3A_110 = arith.constant 2 : i32
        %add3A_111 = arith.addi %mul3A_41, %add3A_110 : i32
        %div3A_112 = arith.constant 8 : i32
        %div3A_113 = arith.divsi %add3A_111, %div3A_112 : i32
        %rem3A_114 = arith.constant 2 : i32
        %rem3A_115 = arith.remsi %div3A_113, %rem3A_114 : i32
        %mul3A_116 = arith.constant 8 : i32
        %mul3A_117 = arith.muli %rem3A_115, %mul3A_116 : i32
        %rem3A_118 = arith.constant 8 : i32
        %rem3A_119 = arith.remsi %add3A_111, %rem3A_118 : i32
        %eq3A_120 = arith.constant 0 : i32
        %eq3A_121 = arith.cmpi eq, %rem3A_119, %eq3A_120 : i32
        %convert_element_type3A_122 = arith.extui %eq3A_121 : i1 to i32
        %cond3A_123 = arith.constant 0 : i32
        %cond3A_124 = arith.cmpi ne, %convert_element_type3A_122, %cond3A_123 : i32
        scf.if %cond3A_124 {
          %mul3A_134 = arith.constant 128 : i32
          %mul3A_135 = arith.muli %add3A_111, %mul3A_134 : i32
          %add3A_136 = arith.addi %mul3A_2, %mul3A_135 : i32
          %jit3A = arith.constant 128 : i32
          %div3A_137 = arith.divsi %add3A_136, %jit3A : i32
          %sign3A = arith.constant 0 : i32
          %sign3A_138 = arith.cmpi sgt, %add3A_136, %sign3A : i32
          %sign3A_139 = arith.extui %sign3A_138 : i1 to i32
          %sign3A_140 = arith.constant 0 : i32
          %sign3A_141 = arith.cmpi slt, %add3A_136, %sign3A_140 : i32
          %sign3A_142 = arith.extui %sign3A_141 : i1 to i32
          %sign3A_143 = arith.subi %sign3A_139, %sign3A_142 : i32
          %sign3A_144 = arith.constant 0 : i32
          %sign3A_145 = arith.cmpi sgt, %jit3A, %sign3A_144 : i32
          %sign3A_146 = arith.extui %sign3A_145 : i1 to i32
          %sign3A_147 = arith.constant 0 : i32
          %sign3A_148 = arith.cmpi slt, %jit3A, %sign3A_147 : i32
          %sign3A_149 = arith.extui %sign3A_148 : i1 to i32
          %sign3A_150 = arith.subi %sign3A_146, %sign3A_149 : i32
          %ne3A = arith.cmpi ne, %sign3A_143, %sign3A_150 : i32
          %rem3A_151 = arith.remsi %add3A_136, %jit3A : i32
          %ne3A_152 = arith.constant 0 : i32
          %ne3A_153 = arith.cmpi ne, %rem3A_151, %ne3A_152 : i32
          %and3A = arith.andi %ne3A, %ne3A_153 : i1
          %sub3A = arith.constant 1 : i32
          %sub3A_154 = arith.subi %div3A_137, %sub3A : i32
          %select_n3A = arith.select %and3A, %sub3A_154, %div3A_137 : i32
          %multiple_of3A_155 = tpu.assume_multiple %select_n3A, 8 : i32
          "tpu.region"() ({
            %run_scoped3A = tpu.sem_alloc : memref<!tpu.dma_semaphore, #tpu.memory_space<semaphore_mem>>
            %dma_start3A_156 = arith.constant 0 : i32
            %dma_start3A_157 = tpu.memref_slice %arg6[%mul3A_117, %dma_start3A_156] : memref<16x128xi32, #tpu.memory_space<vmem>> -> memref<8x128xi32, #tpu.memory_space<vmem>>
            %dma_start3A_158 = arith.constant 0 : i32
            %dma_start3A_159 = tpu.memref_slice %arg3[%multiple_of3A_155, %dma_start3A_158] : memref<6400x128xi32, #tpu.memory_space<hbm>> -> memref<8x128xi32, #tpu.memory_space<hbm>>
            %dma_start3A_160 = arith.constant 0 : i32
            %dma_start3A_161 = tpu.memref_slice %arg6[%mul3A_117, %dma_start3A_160] : memref<16x128xi32, #tpu.memory_space<vmem>> -> memref<8x128xi32, #tpu.memory_space<vmem>>
            %dma_start3A_162 = arith.constant 0 : i32
            %dma_start3A_163 = tpu.memref_slice %arg3[%multiple_of3A_155, %dma_start3A_162] : memref<6400x128xi32, #tpu.memory_space<hbm>> -> memref<8x128xi32, #tpu.memory_space<hbm>>
            tpu.enqueue_dma source(%dma_start3A_163 : memref<8x128xi32, #tpu.memory_space<hbm>>) target(%dma_start3A_161 : memref<8x128xi32, #tpu.memory_space<vmem>>) target_semaphore(%run_scoped3A : memref<!tpu.dma_semaphore, #tpu.memory_space<semaphore_mem>>)
            %dma_wait3A_164 = arith.constant 0 : i32
            %dma_wait3A_165 = tpu.memref_slice %arg6[%mul3A_117, %dma_wait3A_164] : memref<16x128xi32, #tpu.memory_space<vmem>> -> memref<8x128xi32, #tpu.memory_space<vmem>>
            %dma_wait3A_166 = arith.constant 0 : i32
            %dma_wait3A_167 = tpu.memref_slice %arg3[%multiple_of3A_155, %dma_wait3A_166] : memref<6400x128xi32, #tpu.memory_space<hbm>> -> memref<8x128xi32, #tpu.memory_space<hbm>>
            %dma_wait3A_168 = arith.constant 0 : i32
            %dma_wait3A_169 = tpu.memref_slice %arg6[%mul3A_117, %dma_wait3A_168] : memref<16x128xi32, #tpu.memory_space<vmem>> -> memref<8x128xi32, #tpu.memory_space<vmem>>
            %dma_wait3A_170 = arith.constant 0 : i32
            %dma_wait3A_171 = tpu.memref_slice %arg3[%multiple_of3A_155, %dma_wait3A_170] : memref<6400x128xi32, #tpu.memory_space<hbm>> -> memref<8x128xi32, #tpu.memory_space<hbm>>
            tpu.wait_dma2 semaphore(%run_scoped3A : memref<!tpu.dma_semaphore, #tpu.memory_space<semaphore_mem>>) src(%dma_wait3A_171 : memref<8x128xi32, #tpu.memory_space<hbm>>) dst(%dma_wait3A_169 : memref<8x128xi32, #tpu.memory_space<vmem>>)
            tpu.yield
          }) : () -> ()
        } else {
        }
        %rem3A_125 = arith.constant 8 : i32
        %rem3A_126 = arith.remsi %add3A_111, %rem3A_125 : i32
        %add3A_127 = arith.addi %mul3A_117, %rem3A_126 : i32
        %dma_start3A_128 = arith.constant 0 : i32
        %dma_start3A_129 = tpu.memref_slice %arg6[%add3A_127, %dma_start3A_128] : memref<16x128xi32, #tpu.memory_space<vmem>> -> memref<1x128xi32, #tpu.memory_space<vmem>>
        %dma_start3A_130 = tpu.memref_squeeze %dma_start3A_129 : memref<1x128xi32, #tpu.memory_space<vmem>> -> memref<128xi32, #tpu.memory_space<vmem>>
        %dma_start3A_131 = arith.constant 0 : i32
        %dma_start3A_132 = arith.constant 0 : i32
        %dma_start3A_133 = tpu.memref_slice %arg2[%dma_start3A_131, %dma_start3A_132] : memref<1000000x128xf32, #tpu.memory_space<hbm>> -> memref<1000000x128xf32, #tpu.memory_space<hbm>>
        tpu.enqueue_indirect_dma source(%dma_start3A_133 : memref<1000000x128xf32, #tpu.memory_space<hbm>>) target(%arg7 : memref<128x128xf32, #tpu.memory_space<vmem>>) offsets(%dma_start3A_130 : memref<128xi32, #tpu.memory_space<vmem>>) semaphore(%arg12 : memref<!tpu.dma_semaphore, #tpu.memory_space<semaphore_mem>>)
      } else {
      }
      %add3A_82 = arith.constant 1 : i32
      %add3A_83 = arith.addi %mul3A_41, %add3A_82 : i32
      %mul3A_84 = arith.constant 128 : i32
      %mul3A_85 = arith.muli %add3A_83, %mul3A_84 : i32
      %add3A_86 = arith.addi %mul3A_2, %mul3A_85 : i32
      %multiple_of3A_87 = tpu.assume_multiple %add3A_86, 128 : i32
      %dma_wait3A_88 = arith.constant 0 : i32
      %dma_wait3A_89 = arith.constant 0 : i32
      %dma_wait3A_90 = tpu.memref_slice %arg6[%dma_wait3A_88, %dma_wait3A_89] : memref<16x128xi32, #tpu.memory_space<vmem>> -> memref<1x128xi32, #tpu.memory_space<vmem>>
      %dma_wait3A_91 = tpu.memref_squeeze %dma_wait3A_90 : memref<1x128xi32, #tpu.memory_space<vmem>> -> memref<128xi32, #tpu.memory_space<vmem>>
      %dma_wait3A_92 = arith.constant 0 : i32
      %dma_wait3A_93 = arith.constant 0 : i32
      %dma_wait3A_94 = tpu.memref_slice %arg2[%dma_wait3A_92, %dma_wait3A_93] : memref<1000000x128xf32, #tpu.memory_space<hbm>> -> memref<1000000x128xf32, #tpu.memory_space<hbm>>
      tpu.wait_indirect_dma semaphore(%arg13 : memref<!tpu.dma_semaphore, #tpu.memory_space<semaphore_mem>>) src(%dma_wait3A_94 : memref<1000000x128xf32, #tpu.memory_space<hbm>>) dst(%arg8 : memref<128x128xf32, #tpu.memory_space<vmem>>)
      %not3A_95 = arith.constant true
      %not3A_96 = arith.xori %eq3A_43, %not3A_95 : i1
      %convert_element_type3A_97 = arith.extui %not3A_96 : i1 to i32
      %cond3A_98 = arith.constant 0 : i32
      %cond3A_99 = arith.cmpi ne, %convert_element_type3A_97, %cond3A_98 : i32
      scf.if %cond3A_99 {
        %dma_wait3A_110 = arith.constant 0 : i32
        %dma_wait3A_111 = tpu.memref_slice %arg5[%multiple_of3A_87, %dma_wait3A_110] : memref<819200x64xf32, #tpu.memory_space<hbm>> -> memref<128x64xf32, #tpu.memory_space<hbm>>
        %dma_wait3A_112 = arith.constant 0 : i32
        %dma_wait3A_113 = tpu.memref_slice %arg5[%multiple_of3A_87, %dma_wait3A_112] : memref<819200x64xf32, #tpu.memory_space<hbm>> -> memref<128x64xf32, #tpu.memory_space<hbm>>
        tpu.wait_dma2 semaphore(%arg15 : memref<!tpu.dma_semaphore, #tpu.memory_space<semaphore_mem>>) src(%arg10 : memref<128x64xf32, #tpu.memory_space<vmem>>) dst(%dma_wait3A_113 : memref<128x64xf32, #tpu.memory_space<hbm>>)
      } else {
      }
      %scan3A_100 = arith.constant 0 : i32
      %scan3A_101 = arith.constant 128 : i32
      %scan3A_102 = arith.addi %scan3A_100, %scan3A_101 : i32
      %scan3A_103 = arith.constant 1 : i32
      %scan3A_104 = scf.for %scan3A_110 = %scan3A_100 to %scan3A_102 step %scan3A_103 iter_args(%scan3A_111 = %scan3A_69) -> (i32)  : i32 {
        %get3A = arith.index_cast %scan3A_110 : i32 to index
        %get3A_112 = arith.constant 0 : index
        %get3A_113 = tpu.vector_load %arg8[%get3A, %get3A_112] {strides = array<i32>} : memref<128x128xf32, #tpu.memory_space<vmem>>, vector<1x16xf32>,
        %get3A_114 = vector.shape_cast %get3A_113 : vector<1x16xf32> to vector<16xf32>
        %get3A_115 = arith.index_cast %scan3A_111 : i32 to index
        %get3A_116 = arith.constant 0 : index
        %get3A_117 = tpu.vector_load %arg11[%get3A_115, %get3A_116] {strides = array<i32>} : memref<200x64xf32, #tpu.memory_space<vmem>>, vector<1x16xf32>,
        %get3A_118 = vector.shape_cast %get3A_117 : vector<1x16xf32> to vector<16xf32>
        %add3A_119 = arith.addf %get3A_114, %get3A_118 : vector<16xf32>
        %swap3A = arith.index_cast %scan3A_110 : i32 to index
        %swap3A_120 = arith.constant 0 : index
        %swap3A_121 = tpu.vector_load %arg10[%swap3A, %swap3A_120] {strides = array<i32>} : memref<128x64xf32, #tpu.memory_space<vmem>>, vector<1x16xf32>,
        %swap3A_122 = vector.shape_cast %swap3A_121 : vector<1x16xf32> to vector<16xf32>
        %swap3A_123 = vector.shape_cast %add3A_119 : vector<16xf32> to vector<1x16xf32>
        tpu.vector_store %arg10[%swap3A, %swap3A_120], %swap3A_123 {strides = array<i32>} : memref<128x64xf32, #tpu.memory_space<vmem>>, vector<1x16xf32>,
        %get3A_124 = arith.index_cast %scan3A_110 : i32 to index
        %get3A_125 = arith.constant 16 : index
        %get3A_126 = tpu.vector_load %arg8[%get3A_124, %get3A_125] {strides = array<i32>} : memref<128x128xf32, #tpu.memory_space<vmem>>, vector<1x16xf32>,
        %get3A_127 = vector.shape_cast %get3A_126 : vector<1x16xf32> to vector<16xf32>
        %get3A_128 = arith.index_cast %scan3A_111 : i32 to index
        %get3A_129 = arith.constant 16 : index
        %get3A_130 = tpu.vector_load %arg11[%get3A_128, %get3A_129] {strides = array<i32>} : memref<200x64xf32, #tpu.memory_space<vmem>>, vector<1x16xf32>,
        %get3A_131 = vector.shape_cast %get3A_130 : vector<1x16xf32> to vector<16xf32>
        %add3A_132 = arith.addf %get3A_127, %get3A_131 : vector<16xf32>
        %swap3A_133 = arith.index_cast %scan3A_110 : i32 to index
        %swap3A_134 = arith.constant 16 : index
        %swap3A_135 = tpu.vector_load %arg10[%swap3A_133, %swap3A_134] {strides = array<i32>} : memref<128x64xf32, #tpu.memory_space<vmem>>, vector<1x16xf32>,
        %swap3A_136 = vector.shape_cast %swap3A_135 : vector<1x16xf32> to vector<16xf32>
        %swap3A_137 = vector.shape_cast %add3A_132 : vector<16xf32> to vector<1x16xf32>
        tpu.vector_store %arg10[%swap3A_133, %swap3A_134], %swap3A_137 {strides = array<i32>} : memref<128x64xf32, #tpu.memory_space<vmem>>, vector<1x16xf32>,
        %get3A_138 = arith.index_cast %scan3A_110 : i32 to index
        %get3A_139 = arith.constant 32 : index
        %get3A_140 = tpu.vector_load %arg8[%get3A_138, %get3A_139] {strides = array<i32>} : memref<128x128xf32, #tpu.memory_space<vmem>>, vector<1x16xf32>,
        %get3A_141 = vector.shape_cast %get3A_140 : vector<1x16xf32> to vector<16xf32>
        %get3A_142 = arith.index_cast %scan3A_111 : i32 to index
        %get3A_143 = arith.constant 32 : index
        %get3A_144 = tpu.vector_load %arg11[%get3A_142, %get3A_143] {strides = array<i32>} : memref<200x64xf32, #tpu.memory_space<vmem>>, vector<1x16xf32>,
        %get3A_145 = vector.shape_cast %get3A_144 : vector<1x16xf32> to vector<16xf32>
        %add3A_146 = arith.addf %get3A_141, %get3A_145 : vector<16xf32>
        %swap3A_147 = arith.index_cast %scan3A_110 : i32 to index
        %swap3A_148 = arith.constant 32 : index
        %swap3A_149 = tpu.vector_load %arg10[%swap3A_147, %swap3A_148] {strides = array<i32>} : memref<128x64xf32, #tpu.memory_space<vmem>>, vector<1x16xf32>,
        %swap3A_150 = vector.shape_cast %swap3A_149 : vector<1x16xf32> to vector<16xf32>
        %swap3A_151 = vector.shape_cast %add3A_146 : vector<16xf32> to vector<1x16xf32>
        tpu.vector_store %arg10[%swap3A_147, %swap3A_148], %swap3A_151 {strides = array<i32>} : memref<128x64xf32, #tpu.memory_space<vmem>>, vector<1x16xf32>,
        %get3A_152 = arith.index_cast %scan3A_110 : i32 to index
        %get3A_153 = arith.constant 48 : index
        %get3A_154 = tpu.vector_load %arg8[%get3A_152, %get3A_153] {strides = array<i32>} : memref<128x128xf32, #tpu.memory_space<vmem>>, vector<1x16xf32>,
        %get3A_155 = vector.shape_cast %get3A_154 : vector<1x16xf32> to vector<16xf32>
        %get3A_156 = arith.index_cast %scan3A_111 : i32 to index
        %get3A_157 = arith.constant 48 : index
        %get3A_158 = tpu.vector_load %arg11[%get3A_156, %get3A_157] {strides = array<i32>} : memref<200x64xf32, #tpu.memory_space<vmem>>, vector<1x16xf32>,
        %get3A_159 = vector.shape_cast %get3A_158 : vector<1x16xf32> to vector<16xf32>
        %add3A_160 = arith.addf %get3A_155, %get3A_159 : vector<16xf32>
        %swap3A_161 = arith.index_cast %scan3A_110 : i32 to index
        %swap3A_162 = arith.constant 48 : index
        %swap3A_163 = tpu.vector_load %arg10[%swap3A_161, %swap3A_162] {strides = array<i32>} : memref<128x64xf32, #tpu.memory_space<vmem>>, vector<1x16xf32>,
        %swap3A_164 = vector.shape_cast %swap3A_163 : vector<1x16xf32> to vector<16xf32>
        %swap3A_165 = vector.shape_cast %add3A_160 : vector<16xf32> to vector<1x16xf32>
        tpu.vector_store %arg10[%swap3A_161, %swap3A_162], %swap3A_165 {strides = array<i32>} : memref<128x64xf32, #tpu.memory_space<vmem>>, vector<1x16xf32>,
        %add3A_166 = arith.constant 1 : i32
        %add3A_167 = arith.addi %scan3A_111, %add3A_166 : i32
        %eq3A_168 = arith.constant 200 : i32
        %eq3A_169 = arith.cmpi eq, %add3A_167, %eq3A_168 : i32
        %select_n3A = arith.constant 0 : i32
        %select_n3A_170 = arith.select %eq3A_169, %select_n3A, %add3A_167 : i32
        scf.yield %select_n3A_170 : i32
      }
      %scan3A_105 = arith.constant 128 : i32
      %dma_start3A_106 = arith.constant 0 : i32
      %dma_start3A_107 = tpu.memref_slice %arg5[%multiple_of3A_87, %dma_start3A_106] : memref<819200x64xf32, #tpu.memory_space<hbm>> -> memref<128x64xf32, #tpu.memory_space<hbm>>
      %dma_start3A_108 = arith.constant 0 : i32
      %dma_start3A_109 = tpu.memref_slice %arg5[%multiple_of3A_87, %dma_start3A_108] : memref<819200x64xf32, #tpu.memory_space<hbm>> -> memref<128x64xf32, #tpu.memory_space<hbm>>
      tpu.enqueue_dma source(%arg10 : memref<128x64xf32, #tpu.memory_space<vmem>>) target(%dma_start3A_109 : memref<128x64xf32, #tpu.memory_space<hbm>>) target_semaphore(%arg15 : memref<!tpu.dma_semaphore, #tpu.memory_space<semaphore_mem>>)
      scf.yield %scan3A_104 : i32
    }
    %scan3A_28 = arith.constant 100 : i32
    %add3A_29 = arith.constant 25344 : i32
    %add3A_30 = arith.addi %mul3A_2, %add3A_29 : i32
    %multiple_of3A = tpu.assume_multiple %add3A_30, 128 : i32
    %dma_wait3A = arith.constant 0 : i32
    %dma_wait3A_31 = tpu.memref_slice %arg5[%multiple_of3A, %dma_wait3A] : memref<819200x64xf32, #tpu.memory_space<hbm>> -> memref<128x64xf32, #tpu.memory_space<hbm>>
    %dma_wait3A_32 = arith.constant 0 : i32
    %dma_wait3A_33 = tpu.memref_slice %arg5[%multiple_of3A, %dma_wait3A_32] : memref<819200x64xf32, #tpu.memory_space<hbm>> -> memref<128x64xf32, #tpu.memory_space<hbm>>
    tpu.wait_dma2 semaphore(%arg14 : memref<!tpu.dma_semaphore, #tpu.memory_space<semaphore_mem>>) src(%arg9 : memref<128x64xf32, #tpu.memory_space<vmem>>) dst(%dma_wait3A_33 : memref<128x64xf32, #tpu.memory_space<hbm>>)
    %dma_wait3A_34 = arith.constant 0 : i32
    %dma_wait3A_35 = tpu.memref_slice %arg5[%multiple_of3A, %dma_wait3A_34] : memref<819200x64xf32, #tpu.memory_space<hbm>> -> memref<128x64xf32, #tpu.memory_space<hbm>>
    %dma_wait3A_36 = arith.constant 0 : i32
    %dma_wait3A_37 = tpu.memref_slice %arg5[%multiple_of3A, %dma_wait3A_36] : memref<819200x64xf32, #tpu.memory_space<hbm>> -> memref<128x64xf32, #tpu.memory_space<hbm>>
    tpu.wait_dma2 semaphore(%arg15 : memref<!tpu.dma_semaphore, #tpu.memory_space<semaphore_mem>>) src(%arg10 : memref<128x64xf32, #tpu.memory_space<vmem>>) dst(%dma_wait3A_37 : memref<128x64xf32, #tpu.memory_space<hbm>>)
    return
  }
}

</mosaic_0001>

<sc_bundles>
// kernel: kernel.3.cloned.1.call-start
scs
__scs_entry_jumppad:
0x0: {  	(pc) =	sbr.rel $0x88, $3  }
0x1: {  	(tag) =	ssettag $0x0;
	lr =	simm.s32 $0x1  }
0x2: {  	[smem:$0x3F9E] =	sst lr;
	_ =	strace $0xD0000000  }
0x3: {  	_ = 	snop  }
0x4: {  	_ = 	snop  }
0x5: {  	_ = 	snop  }
0x6: {  	_ = 	snop  }
0x7: {  	_ = 	snop  }
__scs_overlays_trampoline_lowered:
0x8: {  	[smem:$0x3FAD] =	sst s0  }
0x9: {  	[smem:$0x3FAE] =	sst s1  }
0xa: {  	[smem:$0x3FAF] =	sst s2  }
0xb: {  	[smem:$0x3FB0] =	sst s3  }
0xc: {  	[smem:$0x3FB1] =	sst s4  }
0xd: {  	[smem:$0x3FB2] =	sst s5  }
0xe: {  	[smem:$0x3FB3] =	sst s6  }
0xf: {  	[smem:$0x3FB4] =	sst s7  }
0x10: {  	[smem:$0x3FB5] =	sst s8  }
0x11: {  	[smem:$0x3FB6] =	sst s9;
	s0 =	simm.s32 @!p0 $0x0  }
0x12: {  	s1 =	sld [smem:$0x3F9C];
	s0 =	simm.s32 @p0 $0x1  }
0x13: {  	[smem:$0x3FB7] =	sst s0;
	s0 =	simm.s32 @!p1 $0x0  }
0x14: {  	s2 =	sld [smem:$0x3F9B];
	s0 =	simm.s32 @p1 $0x1  }
0x15: {  	[smem:$0x3FB8] =	sst s0;
	s0 =	simm.s32 @!p2 $0x0  }
0x16: {  	s3 =	sld [smem:$0x3FDB];
	s0 =	simm.s32 @p2 $0x1  }
0x17: {  	s4 =	simm.s32 $0x1BF5;
	[smem:$0x3FBA] =	sst s0  }
0x18: {  	s0 =	sld [smem:$0x3F9D];
	_ =	swait.ge [sflag:s4], $0x0  }
0x19: {  	s7 =	sld [smem:$0x3F9E]  }
0x1a: {  	s8 =	sadd.s32 $0xFFFFE003, lr  }
0x1b: {  	s9 =	sadd.s32 $0xFFFFFEF7, lr;
	s5 =	simm.s32 $0xFFFFFFFF;
	p2 =	slt.u32 s8, $0xFFFFF086  }
0x1c: {  	p1 =	slt.u32 s9, $0xF7A;
	s5 =	simm.s32 @!p2 $0x0  }
0x1d: {  	s5 =	simm.s32 @p1 $0x1;
	p0 =	seq.s32 s7, s2  }
0x1e: {  	s7 =	smul.u32 @!p0 $0xF7A, s2;
	p2 =	seq.s32 @!p0 s5, $0x0  }
0x1f: {  	s9 =	smul.u32 $0xF7A, s1;
	s8 =	simm.s32 @!p0 $0x1BF5;
	p2 =	por !p2, p0  }
0x20: {  	[sflag:s8] =	ssyncset.s32 @!p0 $0xFFFFF086;
	s6 =	sadd.s32 @!p0 s3, s7;
	s7 =	simm.s32 @!p0 $0x108  }
0x21: {  	s3 =	sadd.s32 s3, s9;
	s6 =	sadd.s32 @!p0 $0x88, s6;
	s7 =	simm.s32 @p2 $0x1082  }
0x22: {  	[simem:s7], [sflag:s8] =	dma.local @!p0 [hbm:s6], $0xF7A  }
0x23: {  	s9 =	sor.u32 $0xD0000000, s2;
	s6 =	simm.s32 $0x108;
	_ =	swait.ge @!p0 [sflag:s8], $0x0  }
0x24: {  	s3 =	sadd.s32 $0x88, s3;
	s6 =	simm.s32 @!p1 $0x1082;
	[sflag:s4] =	ssyncset.s32 $0xFFFFF086  }
0x25: {  	[simem:s6], [sflag:s4] =	dma.local [hbm:s3], $0xF7A  }
0x26: {  	[smem:$0x3F9E] =	sst s1;
	(tag) =	ssettag s2;
	_ =	strace s9  }
0x27: {  	s1 =	sld [smem:$0x3FAE]  }
0x28: {  	s2 =	sld [smem:$0x3FAF]  }
0x29: {  	s4 =	sld [smem:$0x3FB1]  }
0x2a: {  	p0 =	seq.s32 s5, $0x0;
	s5 =	sld [smem:$0x3FB2]  }
0x2b: {  	s6 =	sld [smem:$0x3FB3]  }
0x2c: {  	s7 =	sld [smem:$0x3FB4]  }
0x2d: {  	s3 =	simm.s32 $0x108;
	s8 =	sld [smem:$0x3FB5]  }
0x2e: {  	s3 =	simm.s32 @!p0 $0x1082;
	s9 =	sld [smem:$0x3FB6]  }
0x2f: {  	lr =	sadd.s32 s0, s3;
	s0 =	sld [smem:$0x3FAD]  }
0x30: {  	s3 =	sld [smem:$0x3FB0]  }
0x31: {  	[smem:$0x3FB9] =	sst s10  }
0x32: {  	s10 =	sld [smem:$0x3FB7];
	_ =	sdelay $0x3  }
0x33: {  	p0 =	seq.s32 s10, $0x1;
	s10 =	sld [smem:$0x3FB9];
	_ =	sdelay $0x3  }
0x34: {  	[smem:$0x3FB9] =	sst s10  }
0x35: {  	s10 =	sld [smem:$0x3FB8];
	_ =	sdelay $0x3  }
0x36: {  	p1 =	seq.s32 s10, $0x1;
	s10 =	sld [smem:$0x3FB9];
	_ =	sdelay $0x3  }
0x37: {  	[smem:$0x3FB9] =	sst s10  }
0x38: {  	s10 =	sld [smem:$0x3FBA]  }
0x39: {  	_ = 	snop;
	(pc) =	sbr.ind lr, $3  }
0x3a: {  	_ = 	snop  }
0x3b: {  	_ = 	snop  }
0x3c: {  	p2 =	seq.s32 s10, $0x1;
	s10 =	sld [smem:$0x3FB9]  }
0x3d: {  	_ =	shalt  }
0x3e: {  	_ =	shalt  }
0x3f: {  	_ =	shalt  }
0x40: {  	_ =	shalt  }
0x41: {  	_ =	shalt  }
0x42: {  	_ =	shalt  }
0x43: {  	_ =	shalt  }
0x44: {  	_ =	shalt  }
0x45: {  	_ =	shalt  }
0x46: {  	_ =	shalt  }
0x47: {  	_ =	shalt  }
0x48: {  	_ =	shalt  }
0x49: {  	_ =	shalt  }
0x4a: {  	_ =	shalt  }
0x4b: {  	_ =	shalt  }
0x4c: {  	_ =	shalt  }
0x4d: {  	_ =	shalt  }
0x4e: {  	_ =	shalt  }
0x4f: {  	_ =	shalt  }
0x50: {  	_ =	shalt  }
0x51: {  	_ =	shalt  }
0x52: {  	_ =	shalt  }
0x53: {  	_ =	shalt  }
0x54: {  	_ =	shalt  }
0x55: {  	_ =	shalt  }
0x56: {  	_ =	shalt  }
0x57: {  	_ =	shalt  }
0x58: {  	_ =	shalt  }
0x59: {  	_ =	shalt  }
0x5a: {  	_ =	shalt  }
0x5b: {  	_ =	shalt  }
0x5c: {  	_ =	shalt  }
0x5d: {  	_ =	shalt  }
0x5e: {  	_ =	shalt  }
0x5f: {  	_ =	shalt  }
0x60: {  	_ =	shalt  }
0x61: {  	_ =	shalt  }
0x62: {  	_ =	shalt  }
0x63: {  	_ =	shalt  }
0x64: {  	_ =	shalt  }
0x65: {  	_ =	shalt  }
0x66: {  	_ =	shalt  }
0x67: {  	_ =	shalt  }
0x68: {  	_ =	shalt  }
0x69: {  	_ =	shalt  }
0x6a: {  	_ =	shalt  }
0x6b: {  	_ =	shalt  }
0x6c: {  	_ =	shalt  }
0x6d: {  	_ =	shalt  }
0x6e: {  	_ =	shalt  }
0x6f: {  	_ =	shalt  }
0x70: {  	_ =	shalt  }
0x71: {  	_ =	shalt  }
0x72: {  	_ =	shalt  }
0x73: {  	_ =	shalt  }
0x74: {  	_ =	shalt  }
0x75: {  	_ =	shalt  }
0x76: {  	_ =	shalt  }
0x77: {  	_ =	shalt  }
0x78: {  	_ =	shalt  }
0x79: {  	_ =	shalt  }
0x7a: {  	_ =	shalt  }
0x7b: {  	_ =	shalt  }
0x7c: {  	_ =	shalt  }
0x7d: {  	_ =	shalt  }
0x7e: {  	_ =	shalt  }
0x7f: {  	_ =	shalt  }
0x80: {  	_ =	shalt  }
0x81: {  	_ =	shalt  }
0x82: {  	_ =	shalt  }
0x83: {  	_ =	shalt  }
0x84: {  	_ =	shalt  }
0x85: {  	_ =	shalt  }
0x86: {  	_ =	shalt  }
0x87: {  	_ =	shalt  }
.Lfunc_end0:
.L_simem_size_0:
called_computation.1_lowered:
.L_overlay_start_0:
0x88: {  	s2 =	sld [smem:$0x3FD9]  }
0x89: {  	s3 =	sld [smem:$0x3FFE];
	_ =	sdelay $0x1  }
0x8a: {  	s1 =	srdreg.scid  }
0x8b: {  	s0 =	sand.u32 $0x1, s1  }
0x8c: {  	s17 =	sshll.u32 s0, $0xA;
	s2 =	sadd.s32 s3, s2  }
0x8d: {  	s2 =	sadd.s32 s2, s17  }
0x8e: {  	[smem:$0x3FC5] =	sst s2  }
0x8f: {  	_ = 	snop  }
0x90: {  	s2 =	sld [smem:$0x3FD0];
	(tm) =	ssettm $0x1  }
0x91: {  	s18 =	sld [smem:$0x3FFB];
	_ =	sdelay $0x3  }
0x92: {  	_ =	strace s18  }
0x93: {  	s3 =	sld [smem:$0x3FFC];
	_ =	sdelay $0x3  }
0x94: {  	_ =	strace s3  }
0x95: {  	s3 =	sld [smem:$0x3FFD];
	_ =	sdelay $0x3  }
0x96: {  	_ =	strace s3  }
0x97: {  	_ =	strace $0x8FFFFFFF  }
0x98: {  	s19 =	sld [smem:$0x3FDB];
	_ =	sdelay $0x1  }
0x99: {  	s4 =	simm.s32 $_scs_section_size  }
0x9a: {  	s5 =	simm.s32 $_size__tile_overlayer_lowered;
	s6 =	simm.s32 $_tile_overlayer_lowered  }
0x9b: {  	s22 =	simm.s32 $0x1BFF;
	s21 =	sshll.u32 s6, $0x1;
	s3 =	sadd.s32 s4, s19  }
0x9c: {  	s7 =	simm.s32 $0x0;
	s20 =	sshll.u32 s5, $0x1;
	s5 =	sadd.s32 s21, s3  }
0x9d: {  	[timem:s7], [sflag:s22] =	dma.local [hbm:s5], s20  }
0x9e: {  	_ =	swait.ge [sflag:s22], s20  }
0x9f: {  	s4 =	ssub.s32 $0x0, s20;
	[sflag:s22] =	ssyncset.done $0x0  }
0xa0: {  	[sflag:s22] =	ssyncadd.s32 s4;
	_ =	sdelay $0x1  }
0xa1: {  	s23 =	simm.s32 $0x1B8B  }
0xa2: {  	_ =	swait.ge [sflag:s23], $0x1  }
0xa3: {  	[sflag:s23] =	ssyncset.done $0x0  }
0xa4: {  	s25 =	simm.s32 $0x1B8E;
	s24 =	sld [smem:$0x3FFE];
	[sflag:s23] =	ssyncadd.s32 $0xFFFFFFFF  }
0xa5: {  	s26 =	simm.s32 $execute0_lowered;
	[smem:$0x3FD2] =	sst s25  }
0xa6: {  	s5 =	sshll.u32 s26, $0x1;
	_ =	strace $0x80000046;
	[dreg:$0x1] =	wrdreg $0xFFFFFFFF  }
0xa7: {  	s28 =	simm.s32 $_size_execute0_lowered;
	s3 =	sadd.s32 s3, s5;
	[dreg:$0x0] =	wrdreg $0x0  }
0xa8: {  	s5 =	sshll.u32 s28, $0x1;
	[dreg:$0x2] =	wrdreg s3  }
0xa9: {  	[dreg:$0x3] =	wrdreg s5  }
0xaa: {  	[dreg:$0x4] =	wrdreg $0xC0  }
0xab: {  	_ =	task [dreg:s7], $0x5FFFF  }
0xac: {  	[dreg:$0x1] =	wrdreg $0xFFFFFFFF  }
0xad: {  	[dreg:$0x0] =	wrdreg $0x60  }
0xae: {  	[dreg:$0x2] =	wrdreg s24  }
0xaf: {  	[dreg:$0x3] =	wrdreg s2  }
0xb0: {  	[dreg:$0x4] =	wrdreg $0x9  }
0xb1: {  	_ =	task.clear_ibuf [dreg:s7], $0x5FFFF;
	_ =	strace $0x90000046  }
0xb2: {  	s29 =	simm.s32 $0x9;
	_ =	strace $0x80000048  }
0xb3: {  	_ =	swait.ge [sflag:s29], $0x1  }
0xb4: {  	[sflag:s29] =	ssyncadd.s32 $0xFFFFFFFF  }
0xb5: {  	_ =	strace $0x90000048  }
0xb6: {  	_ =	sfence  }
0xb7: {  	s30 =	sld [smem:$0x0];
	_ =	sdelay $0x2  }
0xb8: {  	s31 =	sshll.u32 s1, $0xD;
	s1 =	sshrl.u32 s1, $0x2  }
0xb9: {  	s3 =	sand.u32 $0x4000, s31;
	s1 =	sadd.s32 s1, s30  }
0xba: {  	s0 =	sor.u32 s3, s0;
	s1 =	sshll.u32 s1, $0x11  }
0xbb: {  	s0 =	sor.u32 s1, s0  }
0xbc: {  	s0 =	sadd.s32 $0x8F2B, s0  }
0xbd: {  	[sflag:s0] =	ssyncadd.remote.s32 $0x1  }
0xbe: {  	_ =	sfence.sel $0xFFFF  }
0xbf: {  	[dreg:$0x0] =	wrdreg $0xFFFFFFFF;
	(pc) =	sbr.abs _section_cstart, $3  }
0xc0: {  	[dreg:$0x1] =	wrdreg $0xFFFFFFFF  }
0xc1: {  	_ =	task.clear_ibuf [dreg:s7], $0x2FFFF;
	_ =	strace $0x9FFFFFFF  }
0xc2: {  	(tm) =	ssettm $0x7FFFFFFF  }
0xc3: {  	_ =	shalt  }
tec
execute0_lowered:
.L_overlay_start_1:
0x0: {  	(tag) =	ssettag $0x1  }
0x1: {  	s7 =	rddreg [dreg:$0x0]  }
0x2: {  	s2 =	rddreg [dreg:$0x1];
	s4 =	srdreg.scid  }
0x3: {  	s1 =	stileid.u32;
	s3 =	simm.s32 $0x0;
	s11 =	simm.s32 $0x10800  }
0x4: {  	s12 =	simm.s32 $0x5;
	s13 =	simm.s32 $0x80;
	s14 =	simm.s32 $0x800  }
0x5: {  	s15 =	simm.s32 $0x4800;
	s16 =	simm.s32 $0x1;
	s17 =	simm.s32 $0x8800  }
0x6: {  	s18 =	simm.s32 $0x2;
	s19 =	simm.s32 $0x4;
	s20 =	simm.s32 $0xC800  }
0x7: {  	s21 =	simm.s32 $0x3;
	s4 =	sand.u32 $0x1, s4;
	s5 =	sshll.u32 s1, $0x1  }
0x8: {  	s22 =	simm.s32 $0x0;
	[smem:$0x7FF] =	sst s3;
	s9 =	sor.u32 s4, s5  }
0x9: {  	s6 =	sadd.s32 $0xF43000, s7;
	s8 =	ssub.s32 $0x2, s4;
	s4 =	smul.u32 $0x6400, s9  }
0xa: {  	_ =	strace $0x80000047;
	s5 =	sadd.s32 $0xF43E00, s7;
	s10 =	sshrl.u32 s8, $0x1  }
0xb: {  	s7 =	sadd.s32 $0xC00, s7;
	s10 =	ssub.s32 s8, s10;
	s31 =	sshrl.u32 s4, $0x3  }
0xc: {  	s9 =	smul.u32 $0x320000, s9;
	s10 =	smax.u32 s10, $0x1;
	s8 =	sadd.s32 s2, s31  }
.LBB2_1:
0xd: {  	[tilespmem:s11], [sflag:$0x5] =	stream.linear.gather [hbm4b:s6+s3], $0x6400, $0x38;
	[tilespmem:$0x16C00] =	vst v63  }
0xe: {  	_ =	swait.ge [sflag:s12], $0x6400  }
0xf: {  	[sflag:s12] =	ssyncset.done $0x0  }
0x10: {  	[sflag:s12] =	ssyncadd.s32 $0xFFFF9C00  }
0x11: {  	[tilespmem:s3], [sflag:$0x5] =	stream.linear.gather [hbm4b:s8+s3], $0x400, $0x38;
	[tilespmem:$0x16C00] =	vst v63  }
0x12: {  	_ =	swait.ge [sflag:s12], $0x400  }
0x13: {  	[sflag:s12] =	ssyncset.done $0x0  }
0x14: {  	s25 =	simm.s32 $0x0;
	s23 =	simm.s32 $0x0;
	[sflag:s12] =	ssyncadd.s32 $0xFFFFFC00  }
0x15: {  	[tilespmem:s14], [sflag:$0x1] =	stream.indirect.gather [hbm4b:s5+s13], $0x80, s3, s13, $0xb8;
	[tilespmem:$0x16C00] =	vst v63  }
.LBB2_2:
0x16: {  	s24 =	sshllo.u32 s23, $0x1  }
0x17: {  	s26 =	sshll.u32 s24, $0x7  }
0x18: {  	s26 =	sand.u32 $0x780, s26  }
0x19: {  	[tilespmem:s15], [sflag:$0x2] =	stream.indirect.gather [hbm4b:s5+s13], $0x80, s26, s13, $0xb8;
	[tilespmem:$0x16C00] =	vst v63  }
0x1a: {  	_ =	swait.ge [sflag:s16], $0x4000  }
0x1b: {  	p0 =	seq.s32 s23, $0x0;
	[sflag:s16] =	ssyncset.done $0x0  }
0x1c: {  	s26 =	simm.s32 @!p0 $0x3;
	[sflag:s16] =	ssyncadd.s32 $0xFFFFC000  }
0x1d: {  	_ =	swait.ge @!p0 [sflag:s26], $0x4000  }
0x1e: {  	[sflag:s26] =	ssyncset.done @!p0 $0x0  }
0x1f: {  	s28 =	simm.s32 $0x0;
	s0 =	sshll.u32 s25, $0x9;
	[sflag:s26] =	ssyncadd.s32 @!p0 $0xFFFFC000  }
0x20: {  	s26 =	sshra.s32 s0, $0x2;
	v0 =	vld [tilespmem:s28+$0x800]  }
0x21: {  	v1 =	vld [tilespmem:s26+$0x10800];
	_ =	sdelay $0x4  }
0x22: {  	v0 =	vadd.f32 v1, v0;
	_ =	sdelay $0x1  }
0x23: {  	[tilespmem:s28+$0x8800] =	vst v0;
	v0 =	vld [tilespmem:s28+$0x810]  }
0x24: {  	v1 =	vld [tilespmem:s26+$0x10810];
	_ =	sdelay $0x4  }
0x25: {  	v0 =	vadd.f32 v1, v0;
	_ =	sdelay $0x1  }
0x26: {  	[tilespmem:s28+$0x8810] =	vst v0;
	v0 =	vld [tilespmem:s28+$0x820]  }
0x27: {  	v1 =	vld [tilespmem:s26+$0x10820];
	_ =	sdelay $0x4  }
0x28: {  	v0 =	vadd.f32 v1, v0;
	_ =	sdelay $0x1  }
0x29: {  	[tilespmem:s28+$0x8820] =	vst v0;
	v0 =	vld [tilespmem:s28+$0x830]  }
0x2a: {  	v1 =	vld [tilespmem:s26+$0x10830];
	_ =	sdelay $0x1  }
0x2b: {  	s26 =	sadd.s32 $0x1, s25  }
0x2c: {  	p1 =	seq.s32 s26, $0xC8  }
0x2d: {  	s29 =	simm.s32 $0x80;
	s26 =	simm.s32 @p1 $0x0  }
0x2e: {  	s30 =	simm.s32 $0x400;
	s25 =	sshll.u32 s23, $0x1;
	s31 =	sshll.u32 s26, $0x9;
	v0 =	vadd.f32 v1, v0  }
.LBB2_3:
0x2f: {  	s31 =	sshra.s32 s31, $0x2;
	s0 =	smov.u32 s30  }
0x30: {  	v1 =	vld [tilespmem:s29+$0x800];
	[tilespmem:s28+$0x8830] =	vst v0;
	s28 =	smov.u32 s29;
	s29 =	sshra.s32 s30, $0x2;
	s0 =	sadd.s32 $0x200, s30  }
0x31: {  	p1 =	sne.s32 s30, $0xFE00;
	v0 =	vld [tilespmem:s31+$0x10800];
	_ =	sdelay $0x4  }
0x32: {  	v0 =	vadd.f32 v0, v1;
	_ =	sdelay $0x1  }
0x33: {  	[tilespmem:s28+$0x8800] =	vst v0;
	v0 =	vld [tilespmem:s28+$0x810]  }
0x34: {  	v1 =	vld [tilespmem:s31+$0x10810];
	_ =	sdelay $0x4  }
0x35: {  	v0 =	vadd.f32 v1, v0;
	_ =	sdelay $0x1  }
0x36: {  	[tilespmem:s28+$0x8810] =	vst v0;
	v0 =	vld [tilespmem:s28+$0x820]  }
0x37: {  	v1 =	vld [tilespmem:s31+$0x10820];
	_ =	sdelay $0x4  }
0x38: {  	v0 =	vadd.f32 v1, v0;
	_ =	sdelay $0x1  }
0x39: {  	[tilespmem:s28+$0x8820] =	vst v0;
	v0 =	vld [tilespmem:s28+$0x830]  }
0x3a: {  	v1 =	vld [tilespmem:s31+$0x10830];
	_ =	sdelay $0x1  }
.Ltmp0:
0x3b: {  	(pc) =	sbr.rel @p1 .LBB2_3-.Ltmp0, $4  }
0x3c: {  	s26 =	sadd.s32 $0x1, s26  }
0x3d: {  	p2 =	seq.s32 s26, $0xC8  }
0x3e: {  	s26 =	simm.s32 @p2 $0x0;
	v0 =	vadd.f32 v1, v0  }
0x3f: {  	s30 =	smov.u32 s0;
	s31 =	sshll.u32 s26, $0x9  }
0x40: {  	v1 =	vld [tilespmem:s29+$0x800];
	s0 =	sshra.s32 s31, $0x2;
	[tilespmem:s28+$0x8830] =	vst v0  }
0x41: {  	v0 =	vld [tilespmem:s0+$0x10800];
	_ =	sdelay $0x4  }
0x42: {  	v0 =	vadd.f32 v0, v1;
	_ =	sdelay $0x1  }
0x43: {  	v58 =	vld [tilespmem:s29+$0x810];
	[tilespmem:s29+$0x8800] =	vst v0  }
0x44: {  	v59 =	vld [tilespmem:s0+$0x10810];
	_ =	sdelay $0x4  }
0x45: {  	v0 =	vadd.f32 v59, v58;
	_ =	sdelay $0x1  }
0x46: {  	v60 =	vld [tilespmem:s29+$0x820];
	[tilespmem:s29+$0x8810] =	vst v0  }
0x47: {  	v61 =	vld [tilespmem:s0+$0x10820];
	_ =	sdelay $0x4  }
0x48: {  	v0 =	vadd.f32 v61, v60;
	_ =	sdelay $0x1  }
0x49: {  	v62 =	vld [tilespmem:s29+$0x830];
	[tilespmem:s29+$0x8820] =	vst v0  }
0x4a: {  	v63 =	vld [tilespmem:s0+$0x10830];
	_ =	sdelay $0x2  }
0x4b: {  	p2 =	sne.s32 s23, $0x63  }
.Ltmp1:
0x4c: {  	s31 =	sshll.u32 s23, $0xF;
	(pc) =	sbr.rel @p2 .LBB2_6-.Ltmp1, $4  }
0x4d: {  	s28 =	sadd.s32 $0x1, s26;
	s0 =	sadd.s32 s9, s31;
	v0 =	vadd.f32 v63, v62  }
0x4e: {  	p1 =	seq.s32 s28, $0xC8;
	s0 =	sshrl.u32 s0, $0x3  }
0x4f: {  	s28 =	simm.s32 @p1 $0x0;
	s0 =	sadd.s32 s7, s0;
	[tilespmem:s29+$0x8830] =	vst v0  }
0x50: {  	[hbm4b:s0+s3] =	stream.linear.scatter [tilespmem:s17], [sflag:$0x3], $0x4000, $0x38;
	[tilespmem:$0x16C00] =	vst v63  }
.Ltmp2:
0x51: {  	(pc) =	sbr.rel .LBB2_7-.Ltmp2, $4  }
0x52: {  	_ = 	snop  }
0x53: {  	_ =	swait.ge [sflag:s18], $0x4000  }
0x54: {  	[sflag:s18] =	ssyncset.done $0x0  }
0x55: {  	[sflag:s18] =	ssyncadd.s32 $0xFFFFC000  }
.LBB2_6:
0x56: {  	s0 =	sadd.s32 $0x2, s25  }
0x57: {  	s25 =	sand.u32 $0x6, s0  }
0x58: {  	p1 =	sne.s32 s25, $0x0  }
0x59: {  	s25 =	sshll.u32 @!p1 s0, $0x7  }
0x5a: {  	s0 =	sshll.u32 s0, $0x9;
	s25 =	sadd.s32 @!p1 s4, s25  }
0x5b: {  	s26 =	sand.u32 @!p1 $0x1000, s0;
	s25 =	sshrl.u32 @!p1 s25, $0x3  }
0x5c: {  	s29 =	simm.s32 @!p1 $0x0;
	s26 =	sshrl.u32 @!p1 s26, $0x2;
	s25 =	sadd.s32 @!p1 s2, s25  }
0x5d: {  	[tilespmem:s26], [sflag:$0x5] =	stream.linear.gather @!p1 [hbm4b:s25+s29], $0x400, $0x38;
	[tilespmem:$0x16C00] =	vst v63  }
0x5e: {  	s25 =	simm.s32 @!p1 $0x5  }
0x5f: {  	_ =	swait.ge @!p1 [sflag:s25], $0x400  }
0x60: {  	s0 =	sand.u32 $0x1C00, s0;
	[sflag:s25] =	ssyncset.done @!p1 $0x0  }
.Ltmp3:
0x61: {  	s0 =	sshrl.u32 s0, $0x2;
	[sflag:s25] =	ssyncadd.s32 @!p1 $0xFFFFFC00;
	(pc) =	sbr.rel @p0 .LBB2_8-.Ltmp3, $4  }
0x62: {  	[tilespmem:s14], [sflag:$0x1] =	stream.indirect.gather [hbm4b:s5+s13], $0x80, s0, s13, $0xb8;
	[tilespmem:$0x16C00] =	vst v63  }
0x63: {  	_ =	swait.ge [sflag:s18], $0x4000  }
0x64: {  	[sflag:s18] =	ssyncset.done $0x0  }
0x65: {  	[sflag:s18] =	ssyncadd.s32 $0xFFFFC000  }
.LBB2_7:
0x66: {  	_ =	swait.ge [sflag:s19], $0x4000  }
0x67: {  	[sflag:s19] =	ssyncset.done $0x0  }
0x68: {  	[sflag:s19] =	ssyncadd.s32 $0xFFFFC000  }
.LBB2_8:
0x69: {  	s26 =	simm.s32 $0x0;
	s0 =	sshll.u32 s28, $0x9  }
0x6a: {  	v0 =	vld [tilespmem:s26+$0x4800];
	s0 =	sshra.s32 s0, $0x2  }
0x6b: {  	v1 =	vld [tilespmem:s0+$0x10800];
	_ =	sdelay $0x4  }
0x6c: {  	v0 =	vadd.f32 v1, v0;
	_ =	sdelay $0x1  }
0x6d: {  	[tilespmem:s26+$0xC800] =	vst v0;
	v0 =	vld [tilespmem:s26+$0x4810]  }
0x6e: {  	v1 =	vld [tilespmem:s0+$0x10810];
	_ =	sdelay $0x4  }
0x6f: {  	v0 =	vadd.f32 v1, v0;
	_ =	sdelay $0x1  }
0x70: {  	[tilespmem:s26+$0xC810] =	vst v0;
	v0 =	vld [tilespmem:s26+$0x4820]  }
0x71: {  	v1 =	vld [tilespmem:s0+$0x10820];
	_ =	sdelay $0x4  }
0x72: {  	v0 =	vadd.f32 v1, v0;
	_ =	sdelay $0x1  }
0x73: {  	[tilespmem:s26+$0xC820] =	vst v0;
	v0 =	vld [tilespmem:s26+$0x4830]  }
0x74: {  	v1 =	vld [tilespmem:s0+$0x10830];
	_ =	sdelay $0x2  }
0x75: {  	s25 =	sadd.s32 $0x1, s28  }
0x76: {  	p0 =	seq.s32 s25, $0xC8  }
0x77: {  	s25 =	simm.s32 @p0 $0x0;
	v0 =	vadd.f32 v1, v0  }
0x78: {  	s28 =	simm.s32 $0x80;
	s29 =	simm.s32 $0x400;
	s30 =	sshll.u32 s25, $0x9  }
.LBB2_9:
0x79: {  	v1 =	vld [tilespmem:s28+$0x4800];
	s0 =	sshra.s32 s30, $0x2;
	[tilespmem:s26+$0xC830] =	vst v0;
	s26 =	smov.u32 s28  }
0x7a: {  	s28 =	sshra.s32 s29, $0x2;
	s30 =	smov.u32 s29;
	s31 =	sadd.s32 $0x200, s29  }
0x7b: {  	p0 =	sne.s32 s29, $0xFE00;
	v0 =	vld [tilespmem:s0+$0x10800];
	_ =	sdelay $0x4  }
0x7c: {  	v0 =	vadd.f32 v0, v1;
	_ =	sdelay $0x1  }
0x7d: {  	[tilespmem:s26+$0xC800] =	vst v0;
	v0 =	vld [tilespmem:s26+$0x4810]  }
0x7e: {  	v1 =	vld [tilespmem:s0+$0x10810];
	_ =	sdelay $0x4  }
0x7f: {  	v0 =	vadd.f32 v1, v0;
	_ =	sdelay $0x1  }
0x80: {  	[tilespmem:s26+$0xC810] =	vst v0;
	v0 =	vld [tilespmem:s26+$0x4820]  }
0x81: {  	v1 =	vld [tilespmem:s0+$0x10820];
	_ =	sdelay $0x4  }
0x82: {  	v0 =	vadd.f32 v1, v0;
	_ =	sdelay $0x1  }
0x83: {  	[tilespmem:s26+$0xC820] =	vst v0;
	v0 =	vld [tilespmem:s26+$0x4830]  }
0x84: {  	v1 =	vld [tilespmem:s0+$0x10830];
	_ =	sdelay $0x1  }
.Ltmp4:
0x85: {  	(pc) =	sbr.rel @p0 .LBB2_9-.Ltmp4, $4  }
0x86: {  	s25 =	sadd.s32 $0x1, s25  }
0x87: {  	p1 =	seq.s32 s25, $0xC8  }
0x88: {  	s25 =	simm.s32 @p1 $0x0;
	v0 =	vadd.f32 v1, v0  }
0x89: {  	s29 =	smov.u32 s31;
	s30 =	sshll.u32 s25, $0x9  }
0x8a: {  	v1 =	vld [tilespmem:s28+$0x4800];
	s0 =	sshra.s32 s30, $0x2;
	[tilespmem:s26+$0xC830] =	vst v0  }
0x8b: {  	v0 =	vld [tilespmem:s0+$0x10800];
	_ =	sdelay $0x4  }
0x8c: {  	v0 =	vadd.f32 v0, v1;
	_ =	sdelay $0x1  }
0x8d: {  	v58 =	vld [tilespmem:s28+$0x4810];
	[tilespmem:s28+$0xC800] =	vst v0  }
0x8e: {  	v59 =	vld [tilespmem:s0+$0x10810];
	_ =	sdelay $0x4  }
0x8f: {  	v0 =	vadd.f32 v59, v58;
	_ =	sdelay $0x1  }
0x90: {  	v60 =	vld [tilespmem:s28+$0x4820];
	[tilespmem:s28+$0xC810] =	vst v0  }
0x91: {  	v61 =	vld [tilespmem:s0+$0x10820];
	_ =	sdelay $0x4  }
0x92: {  	v0 =	vadd.f32 v61, v60;
	_ =	sdelay $0x1  }
0x93: {  	v62 =	vld [tilespmem:s28+$0x4830];
	[tilespmem:s28+$0xC820] =	vst v0  }
0x94: {  	v63 =	vld [tilespmem:s0+$0x10830];
	_ =	sdelay $0x1  }
0x95: {  	s23 =	sadd.s32 $0x1, s23  }
0x96: {  	p1 =	sne.s32 s23, $0x64  }
.Ltmp5:
0x97: {  	s31 =	sshll.u32 s24, $0xE;
	(pc) =	sbr.rel @p1 .LBB2_2-.Ltmp5, $4  }
0x98: {  	s25 =	sadd.s32 $0x1, s25;
	s0 =	sadd.s32 s9, s31;
	v0 =	vadd.f32 v63, v62  }
0x99: {  	p0 =	seq.s32 s25, $0xC8;
	s0 =	sshrl.u32 s0, $0x3  }
0x9a: {  	s25 =	simm.s32 @p0 $0x0;
	s0 =	sadd.s32 s7, s0;
	[tilespmem:s28+$0xC830] =	vst v0  }
0x9b: {  	[hbm4b:s0+s3] =	stream.linear.scatter [tilespmem:s20], [sflag:$0x4], $0x4000, $0x38;
	[tilespmem:$0x16C00] =	vst v63  }
0x9c: {  	s22 =	sadd.s32 $0x1, s22  }
0x9d: {  	_ =	swait.ge [sflag:s21], $0x4000;
	p0 =	sne.s32 s22, s10  }
.Ltmp6:
0x9e: {  	[sflag:s21] =	ssyncset.done $0x0;
	(pc) =	sbr.rel @p0 .LBB2_1-.Ltmp6, $4  }
0x9f: {  	[sflag:s21] =	ssyncadd.s32 $0xFFFFC000  }
0xa0: {  	_ =	swait.ge [sflag:s19], $0x4000  }
0xa1: {  	[sflag:s19] =	ssyncset.done $0x0  }
0xa2: {  	[sflag:s19] =	ssyncadd.s32 $0xFFFFC000  }
0xa3: {  	_ =	sfence.sel $0x180000  }
0xa4: {  	[bflag:$0x0] =	sbarrier.arrive $0xFFFF  }
0xa5: {  	_ =	strace $0x90000047  }
0xa6: {  	[bflag:$0x2] =	sbarrier.arrive $0xFFFF  }
0xa7: {  	p0 =	sne.s32 s1, $0x0;
	s0 =	rddreg [dreg:$0x2]  }
0xa8: {  	s0 =	sadd.s32 @!p0 $0x100000, s0  }
0xa9: {  	[sflag:s0] =	ssyncadd.tile.s32 @!p0 $0x1;
	_ =	shalt  }
.Lfunc_end2:
_tile_overlayer_lowered:
.L_overlay_start_2:
0xaa: {  	(tag) =	ssettag $0x2  }
0xab: {  	s0 =	rddreg [dreg:$0x0];
	s2 =	stileid.u32  }
0xac: {  	s1 =	rddreg [dreg:$0x1];
	p0 =	sne.s32 s2, $0x0  }
0xad: {  	s3 =	rddreg [dreg:$0x2];
	[bflag:$0x3] =	sbarrier.arrive $0xFFFF;
	s2 =	simm.s32 @!p0 $0x1C05  }
0xae: {  	[timem:s3], [sflag:s2] =	dma.local @!p0 [hbm:s0], s1  }
0xaf: {  	s0 =	simm.s32 @!p0 $0x5  }
0xb0: {  	_ =	swait.ge @!p0 [sflag:s0], s1  }
0xb1: {  	s1 =	ssub.s32 @!p0 $0x0, s1;
	[sflag:s0] =	ssyncset.done @!p0 $0x0  }
0xb2: {  	[sflag:s0] =	ssyncadd.s32 @!p0 s1  }
0xb3: {  	[bflag:$0x3] =	sbarrier.arrive $0xFFFF  }
0xb4: {  	_ =	shalt  }

// kernel: sparse-core-data-format-call.cloned.1.call-start
scs
called_computation_lowered:
.L_overlay_start_0:
0x0: {  	s2 =	sld [smem:$0x3FD9]  }
0x1: {  	s3 =	sld [smem:$0x3FFE];
	_ =	sdelay $0x1  }
0x2: {  	s1 =	srdreg.scid  }
0x3: {  	s0 =	sand.u32 $0x1, s1  }
0x4: {  	s18 =	sshll.u32 s0, $0xA;
	s2 =	sadd.s32 s3, s2  }
0x5: {  	s2 =	sadd.s32 s2, s18  }
0x6: {  	[smem:$0x3FC5] =	sst s2  }
0x7: {  	_ = 	snop  }
0x8: {  	s2 =	sld [smem:$0x3FD0];
	(tm) =	ssettm $0x1  }
0x9: {  	s19 =	sld [smem:$0x3FFB];
	_ =	sdelay $0x3  }
0xa: {  	_ =	strace s19  }
0xb: {  	s3 =	sld [smem:$0x3FFC];
	_ =	sdelay $0x3  }
0xc: {  	_ =	strace s3  }
0xd: {  	s3 =	sld [smem:$0x3FFD];
	_ =	sdelay $0x3  }
0xe: {  	_ =	strace s3  }
0xf: {  	_ =	strace $0x8FFFFFFF  }
0x10: {  	s20 =	sld [smem:$0x3FDB];
	_ =	sdelay $0x1  }
0x11: {  	s4 =	simm.s32 $_scs_section_size  }
0x12: {  	s5 =	simm.s32 $_size__tile_overlayer_lowered;
	s6 =	simm.s32 $_tile_overlayer_lowered  }
0x13: {  	s23 =	simm.s32 $0x1BFF;
	s22 =	sshll.u32 s6, $0x1;
	s3 =	sadd.s32 s4, s20  }
0x14: {  	s7 =	simm.s32 $0x0;
	s21 =	sshll.u32 s5, $0x1;
	s5 =	sadd.s32 s22, s3  }
0x15: {  	[timem:s7], [sflag:s23] =	dma.local [hbm:s5], s21  }
0x16: {  	_ =	swait.ge [sflag:s23], s21  }
0x17: {  	s4 =	ssub.s32 $0x0, s21;
	[sflag:s23] =	ssyncset.done $0x0  }
0x18: {  	[sflag:s23] =	ssyncadd.s32 s4;
	_ =	sdelay $0x1  }
0x19: {  	s24 =	simm.s32 $0x1B8B  }
0x1a: {  	_ =	swait.ge [sflag:s24], $0x1  }
0x1b: {  	[sflag:s24] =	ssyncset.done $0x0  }
0x1c: {  	s26 =	simm.s32 $0x1B8E;
	s25 =	sld [smem:$0x3FFE];
	[sflag:s24] =	ssyncadd.s32 $0xFFFFFFFF  }
0x1d: {  	s27 =	simm.s32 $execute0_lowered;
	[smem:$0x3FD2] =	sst s26  }
0x1e: {  	s5 =	sshll.u32 s27, $0x1;
	_ =	strace $0x80000049;
	[dreg:$0x1] =	wrdreg $0xFFFFFFFF  }
0x1f: {  	s28 =	simm.s32 $_size_execute0_lowered;
	s3 =	sadd.s32 s3, s5;
	[dreg:$0x0] =	wrdreg $0x0  }
0x20: {  	s5 =	sshll.u32 s28, $0x1;
	[dreg:$0x2] =	wrdreg s3  }
0x21: {  	[dreg:$0x3] =	wrdreg s5  }
0x22: {  	[dreg:$0x4] =	wrdreg $0xC0  }
0x23: {  	_ =	task [dreg:s7], $0x5FFFF  }
0x24: {  	[dreg:$0x1] =	wrdreg $0xFFFFFFFF  }
0x25: {  	[dreg:$0x0] =	wrdreg $0x60  }
0x26: {  	[dreg:$0x2] =	wrdreg s25  }
0x27: {  	[dreg:$0x3] =	wrdreg s2  }
0x28: {  	[dreg:$0x4] =	wrdreg $0x9  }
0x29: {  	_ =	task.clear_ibuf [dreg:s7], $0x5FFFF;
	_ =	strace $0x90000049  }
0x2a: {  	s29 =	simm.s32 $0x9;
	_ =	strace $0x8000004B  }
0x2b: {  	_ =	swait.ge [sflag:s29], $0x1  }
0x2c: {  	[sflag:s29] =	ssyncadd.s32 $0xFFFFFFFF  }
0x2d: {  	_ =	strace $0x9000004B  }
0x2e: {  	_ =	sfence  }
0x2f: {  	s30 =	sld [smem:$0x0];
	_ =	sdelay $0x2  }
0x30: {  	s31 =	sshll.u32 s1, $0xD;
	s1 =	sshrl.u32 s1, $0x2  }
0x31: {  	s3 =	sand.u32 $0x4000, s31;
	s1 =	sadd.s32 s1, s30  }
0x32: {  	s0 =	sor.u32 s3, s0;
	s1 =	sshll.u32 s1, $0x11  }
0x33: {  	s0 =	sor.u32 s1, s0  }
0x34: {  	s0 =	sadd.s32 $0x8F2B, s0  }
0x35: {  	[sflag:s0] =	ssyncadd.remote.s32 $0x1  }
0x36: {  	_ =	sfence.sel $0xFFFF  }
0x37: {  	[dreg:$0x0] =	wrdreg $0xFFFFFFFF;
	(pc) =	sbr.abs _section_cstart, $3  }
0x38: {  	[dreg:$0x1] =	wrdreg $0xFFFFFFFF  }
0x39: {  	_ =	task.clear_ibuf [dreg:s7], $0x2FFFF;
	_ =	strace $0x9FFFFFFF  }
0x3a: {  	(tm) =	ssettm $0x7FFFFFFF  }
0x3b: {  	_ =	shalt  }
tec
execute0_lowered:
.L_overlay_start_1:
0x0: {  	(tag) =	ssettag $0x1  }
0x1: {  	s0 =	srdreg.scid  }
0x2: {  	s1 =	sshll.u32 s0, $0x4  }
0x3: {  	s0 =	stileid.u32;
	s1 =	sand.u32 $0x10, s1  }
0x4: {  	s1 =	sor.u32 s0, s1  }
0x5: {  	s6 =	rddreg [dreg:$0x0];
	s4 =	simm.s32 $0x1;
	s2 =	sshll.u32 s1, $0x7  }
0x6: {  	s7 =	simm.s32 $0x2;
	s12 =	simm.s32 $0x0;
	s1 =	ssub.s32 $0x1000, s2  }
0x7: {  	s8 =	simm.s32 $0x8000;
	s13 =	simm.s32 $0x0;
	s3 =	sand.u32 $0xF80, s1  }
0x8: {  	s9 =	simm.s32 $0x0;
	s5 =	sshrl.u32 s1, $0xC;
	p0 =	sne.s32 s3, $0x0  }
.Ltmp0:
0x9: {  	s1 =	rddreg [dreg:$0x2];
	s4 =	simm.s32 @!p0 $0x0;
	(pc) =	sbr.rel .LBB1_1-.Ltmp0, $4  }
0xa: {  	s11 =	simm.s32 $0x0;
	s3 =	rddreg [dreg:$0x1];
	s5 =	sadd.s32 s4, s5  }
0xb: {  	_ =	strace $0x8000004A;
	s4 =	simm.s32 $0x1;
	s5 =	smul.u32 $0xC8, s5  }
0xc: {  	s6 =	sadd.s32 $0xC00, s6;
	s10 =	smov.u32 s2;
	[sflag:s4] =	ssyncpa.u1 $0x0  }
0xd: {  	p0 =	por $0x0, $0x0;
	[sflag:s7] =	ssyncpa.u1 $0x0;
	s7 =	sor.u32 $0x1, s5  }
.LBB1_4:
0xe: {  	s16 =	sshll.u32 s13, $0x3;
	s17 =	sand.u32 $0x78, s13  }
0xf: {  	s30 =	sand.u32 $0x7E00, s13;
	s12 =	sshll.u32 s12, $0xF;
	s16 =	sand.u32 $0xC00, s16  }
0x10: {  	[tilespmem:s15+$0x810 ss:$0x81] =	vst.msk $0xffff, v2;
	s31 =	sand.u32 $0x7, s13;
	s16 =	sor.u32 s17, s16;
	s17 =	sadd.s32 s3, s30  }
0x11: {  	[tilespmem:s15+$0x1020 ss:$0x81] =	vst.msk $0xffff, v0;
	s13 =	sshll.u32 s31, $0x12;
	s12 =	sadd.s32 s12, s17;
	s16 =	sshrl.u32 s16, $0x3  }
0x12: {  	[tilespmem:s15+$0x0 ss:$0x81] =	vst.msk $0xffff, v1;
	s13 =	sor.u32 $0x400, s13;
	s12 =	sadd.s32 s16, s12  }
0x13: {  	[hbm4b:s12+s13] =	stream.strided.scatter [tilespmem:s14], [sflag:$0x2], $0x2000, s8, s13, $0x20;
	[tilespmem:$0x8080] =	vst v63  }
.LBB1_5:
0x14: {  	s14 =	sadd.s32 $0x1, s9  }
0x15: {  	s12 =	sadd.s32 $0x1000, s10;
	s16 =	smov.u32 s10;
	p2 =	sgt.s32 s14, $0xC7  }
0x16: {  	s16 =	smov.u32 @p2 s12  }
0x17: {  	s14 =	simm.s32 @p2 $0x0;
	p2 =	sgt.s32 s16, $0xFFF  }
0x18: {  	s16 =	smov.u32 @p2 s2;
	p2 =	sne.s32 s11, s7  }
.Ltmp1:
0x19: {  	p1 =	slt.u32 s11, $0x2;
	(pc) =	sbr.rel @!p2 .LBB1_6-.Ltmp1, $4  }
0x1a: {  	s15 =	simm.s32 @!p1 $0x2  }
0x1b: {  	s13 =	smov.u32 s10;
	p0 =	por !p0, !p0;
	_ =	swait.ge @!p1 [sflag:s15], $0x2000  }
0x1c: {  	s12 =	smov.u32 s9;
	[sflag:s15] =	ssyncset.done @!p1 $0x0;
	s9 =	smov.u32 s14  }
0x1d: {  	s11 =	sadd.s32 $0x1, s11;
	[sflag:s15] =	ssyncadd.s32 @!p1 $0xFFFFE000;
	s10 =	smov.u32 s16  }
.LBB1_1:
0x1e: {  	p1 =	sge.u32 s11, s5  }
0x1f: {  	s14 =	sand.u32 @!p1 $0x1FFFFFF, s9  }
0x20: {  	s15 =	smulhi.u32 @!p1 $0x147AE15, s14;
	_ =	sdelay $0x1  }
0x21: {  	s15 =	smul.u32 @!p1 $0xC8, s15  }
0x22: {  	s16 =	sxor.u32 @!p1 $0xFFFFFFFF, s11;
	s17 =	smul.u32 @!p1 $0xC80, s10  }
0x23: {  	s31 =	sadd.s32 $0xFFFFFFFF, s11;
	s16 =	sshll.u32 @!p1 s16, $0xD;
	s14 =	ssub.s32 @!p1 s14, s15  }
0x24: {  	s15 =	sand.u32 @!p1 $0x2000, s16;
	s16 =	sadd.s32 @!p1 s6, s17;
	s14 =	sshll.u32 @!p1 s14, $0x4  }
0x25: {  	s17 =	simm.s32 @!p1 $0x6400;
	s14 =	sadd.s32 @!p1 s14, s16;
	s16 =	simm.s32 @!p1 $0x40  }
0x26: {  	[tilespmem:s15], [sflag:$0x1] =	stream.strided.gather @!p1 [hbm4b:s14+s16], $0x2000, s17, s16, $0x38;
	[tilespmem:$0x8080] =	vst v63  }
0x27: {  	p1 =	sge.u32 s31, s5  }
.Ltmp2:
0x28: {  	_ = 	snop;
	(pc) =	sbr.rel @p1 .LBB1_5-.Ltmp2, $1  }
0x29: {  	_ =	sdelay $0x3  }
0x2a: {  	s14 =	simm.s32 $0x1  }
0x2b: {  	_ =	swait.ge [sflag:s4], $0x2000;
	s14 =	simm.s32 @!p0 $0x0  }
0x2c: {  	[sflag:s4] =	ssyncset.done $0x0;
	s15 =	sshll.u32 s14, $0xD  }
0x2d: {  	[sflag:s4] =	ssyncadd.s32 $0xFFFFE000;
	s18 =	sor.u32 $0x20, s15  }
0x2e: {  	s14 =	smul.u32 $0x8100, s14;
	v3 =	vld [tilespmem:s18+$0x10]  }
0x2f: {  	s30 =	sand.u32 $0x1, s11;
	v2 =	vld [tilespmem:s18+$0xFFFFFFF0]  }
0x30: {  	s15 =	smul.u32 $0x8100, s30;
	s14 =	sshrl.u32 s14, $0x2;
	v0 =	vld [tilespmem:s18+$0x0]  }
0x31: {  	v1 =	vld [tilespmem:s18+$0xFFFFFFE0];
	s16 =	sor.u32 $0x4000, s14  }
0x32: {  	s31 =	sshrl.u32 s15, $0x2;
	s15 =	sadd.s32 $0x0, s16  }
0x33: {  	s17 =	simm.s32 $0x4;
	s18 =	sadd.s32 $0x40, s18;
	s14 =	sor.u32 $0x4000, s31;
	[tilespmem:s15+$0x1830 ss:$0x81] =	vst.msk $0xffff, v3  }
.LBB1_3:
0x34: {  	v3 =	vld [tilespmem:s18+$0x10];
	p1 =	sne.s32 s17, $0x1FC;
	[tilespmem:s15+$0x810 ss:$0x81] =	vst.msk $0xffff, v2;
	s19 =	smov.u32 s17;
	s17 =	sadd.s32 $0x4, s17  }
.Ltmp3:
0x35: {  	v2 =	vld [tilespmem:s18+$0xFFFFFFF0];
	[tilespmem:s15+$0x1020 ss:$0x81] =	vst.msk $0xffff, v0;
	(pc) =	sbr.rel @p1 .LBB1_3-.Ltmp3, $4  }
0x36: {  	v0 =	vld [tilespmem:s18+$0x0];
	[tilespmem:s15+$0x0 ss:$0x81] =	vst.msk $0xffff, v1  }
0x37: {  	s15 =	sshra.s32 s19, $0x2;
	v1 =	vld [tilespmem:s18+$0xFFFFFFE0]  }
0x38: {  	s15 =	sadd.s32 s15, s16  }
0x39: {  	s18 =	sadd.s32 $0x40, s18;
	[tilespmem:s15+$0x1830 ss:$0x81] =	vst.msk $0xffff, v3  }
.Ltmp4:
0x3a: {  	_ = 	snop;
	(pc) =	sbr.rel .LBB1_4-.Ltmp4, $1  }
0x3b: {  	_ =	sdelay $0x3  }
.LBB1_6:
0x3c: {  	_ =	sfence.sel $0x180000  }
0x3d: {  	s2 =	simm.s32 $0x1;
	[bflag:$0x0] =	sbarrier.arrive $0xFFFF  }
0x3e: {  	s31 =	simm.s32 $0x2;
	[sflag:s2] =	ssyncpa.u1 $0x1  }
0x3f: {  	[sflag:s31] =	ssyncpa.u1 $0x1  }
0x40: {  	p0 =	sne.s32 s0, $0x0;
	_ =	strace $0x9000004A  }
0x41: {  	s0 =	sadd.s32 @!p0 $0x100000, s1;
	[bflag:$0x2] =	sbarrier.arrive $0xFFFF  }
0x42: {  	[sflag:s0] =	ssyncadd.tile.s32 @!p0 $0x1;
	_ =	shalt  }
.Lfunc_end1:
_tile_overlayer_lowered:
.L_overlay_start_2:
0x43: {  	(tag) =	ssettag $0x2  }
0x44: {  	s0 =	rddreg [dreg:$0x0];
	s2 =	stileid.u32  }
0x45: {  	s1 =	rddreg [dreg:$0x1];
	p0 =	sne.s32 s2, $0x0  }
0x46: {  	s3 =	rddreg [dreg:$0x2];
	[bflag:$0x3] =	sbarrier.arrive $0xFFFF;
	s2 =	simm.s32 @!p0 $0x1C01  }
0x47: {  	[timem:s3], [sflag:s2] =	dma.local @!p0 [hbm:s0], s1  }
0x48: {  	s0 =	simm.s32 @!p0 $0x1  }
0x49: {  	_ =	swait.ge @!p0 [sflag:s0], s1  }
0x4a: {  	s1 =	ssub.s32 @!p0 $0x0, s1;
	[sflag:s0] =	ssyncset.done @!p0 $0x0  }
0x4b: {  	[sflag:s0] =	ssyncadd.s32 @!p0 s1  }
0x4c: {  	[bflag:$0x3] =	sbarrier.arrive $0xFFFF  }
0x4d: {  	_ =	shalt  }

</sc_bundles>
